<compile_context>
chip_gen: v7x
topology: tpu7x:2x2x1
jax: 0.10.2.dev20260603
libtpu: 0.0.44.dev20260713+nightly
codegen_flags: <defaults>
</compile_context>

<pallas_src>
import functools

import jax
import jax.numpy as jnp
from jax import lax
from jax.experimental import pallas as pl
from jax.experimental.pallas import tpu as pltpu
from jax.experimental.pallas import tpu_sc as plsc

N_CLASSES = 2
EPS = 1e-08

B = 8
NSC = 2
NTC = B - NSC
H = 512
W = 512
NC = 2
NS = 16
NW = NC * NS
ROWS = H // NW
LANES = 16

_mesh = plsc.VectorSubcoreMesh(core_axis_name="c", subcore_axis_name="s")


@functools.partial(
    pl.kernel,
    mesh=_mesh,
    out_type=jax.ShapeDtypeStruct((NW, 3 * NSC, LANES), jnp.int32),
    scratch_types=[
        pltpu.VMEM((2, ROWS, W), jnp.float32),
        pltpu.VMEM((2, ROWS, W), jnp.int32),
        pltpu.VMEM((3 * NSC, LANES), jnp.int32),
        pltpu.SemaphoreType.DMA,
        pltpu.SemaphoreType.DMA,
        pltpu.SemaphoreType.DMA,
        pltpu.SemaphoreType.DMA,
    ],
)
def _stage1(pr_hbm, gt_hbm, part_hbm, pr_buf, gt_buf, part_buf,
            sem_pr0, sem_pr1, sem_gt0, sem_gt1):
    wid = lax.axis_index("s") * NC + lax.axis_index("c")
    pr_sems = (sem_pr0, sem_pr1)
    gt_sems = (sem_gt0, sem_gt1)

    copies = {}

    row0 = wid * ROWS

    def issue(s):
        b = s % 2
        copies[b] = (
            pltpu.async_copy(pr_hbm.at[s, 0, pl.ds(row0, ROWS), :],
                             pr_buf.at[b], pr_sems[b]),
            pltpu.async_copy(gt_hbm.at[s, pl.ds(row0, ROWS), :],
                             gt_buf.at[b], gt_sems[b]),
        )

    issue(0)
    if NSC > 1:
        issue(1)

    zeros = jnp.zeros((LANES,), jnp.int32)
    NACC = 4

    for s in range(NSC):
        b = s % 2
        c_pr, c_gt = copies[b]
        c_pr.wait()
        c_gt.wait()

        def body(i, carry, b=b):
            tp, p, g = list(carry[0]), list(carry[1]), list(carry[2])
            off = i * LANES
            for r in range(ROWS):
                a = r % NACC
                pr = pr_buf[b, r, pl.ds(off, LANES)]
                gt = gt_buf[b, r, pl.ds(off, LANES)]
                pred = pr > 0.0
                tp[a] = tp[a] + jnp.where(pred, gt, 0)
                p[a] = p[a] + jnp.where(pred, 1, 0)
                g[a] = g[a] + gt
            return tuple(tp), tuple(p), tuple(g)

        init = tuple(tuple(zeros for _ in range(NACC)) for _ in range(3))
        tp, p, g = lax.fori_loop(0, W // LANES, body, init)
        if s + 2 < NSC:
            issue(s + 2)
        part_buf[s, :] = tp[0] + tp[1] + (tp[2] + tp[3])
        part_buf[NSC + s, :] = p[0] + p[1] + (p[2] + p[3])
        part_buf[2 * NSC + s, :] = g[0] + g[1] + (g[2] + g[3])

    pltpu.sync_copy(part_buf, part_hbm.at[wid])


HSPLIT = 1


def _tc_reduce(pr_ref, gt_ref, out_ref):
    j = pl.program_id(1)
    pred = (pr_ref[0, 0] > 0.0).astype(jnp.float32)
    gt_f = gt_ref[0].astype(jnp.float32)
    tp = jnp.sum(pred * gt_f)
    p = jnp.sum(pred)
    g = jnp.sum(gt_f)
    li = lax.broadcasted_iota(jnp.int32, (1, 1, 128), 2)
    vals = jnp.where(li == 0, tp,
                     jnp.where(li == 1, p,
                               jnp.where(li == 2, g, 0.0)))

    @pl.when(j == 0)
    def _():
        out_ref[...] = vals

    @pl.when(j != 0)
    def _():
        out_ref[...] = out_ref[...] + vals


def _combine(sc_ref, tc_ref, out_ref):
    x = sc_ref[...].astype(jnp.float32)
    r = jnp.sum(x, axis=0)
    tp_sc = jnp.sum(r[0:NSC, :], axis=1)
    p_sc = jnp.sum(r[NSC:2 * NSC, :], axis=1)
    g_sc = jnp.sum(r[2 * NSC:3 * NSC, :], axis=1)
    t = tc_ref[...]
    pm = rm = fm = im = 0.0
    for s in range(B):
        if s < NSC:
            tp, p, g = tp_sc[s], p_sc[s], g_sc[s]
        else:
            tp, p, g = (t[s - NSC, 0, 0], t[s - NSC, 0, 1],
                        t[s - NSC, 0, 2])
        precision = (tp + EPS) / (p + EPS)
        recall = (tp + EPS) / (g + EPS)
        f1 = 2.0 * precision * recall / (precision + recall)
        iou = (tp + EPS) / (p + g - tp + EPS)
        pm += precision
        rm += recall
        fm += f1
        im += iou
    inv_b = 1.0 / B
    li = lax.broadcasted_iota(jnp.int32, (4,), 0)
    out_ref[...] = jnp.where(li == 0, pm * inv_b,
                             jnp.where(li == 1, rm * inv_b,
                                       jnp.where(li == 2, fm * inv_b,
                                                 im * inv_b)))


def kernel(y_pr, y_gt):
    gt = y_gt.astype(jnp.int32)
    sc_partials = _stage1(y_pr, gt)
    tc_partials = pl.pallas_call(
        _tc_reduce,
        grid=(NTC, HSPLIT),
        in_specs=[
            pl.BlockSpec((1, 1, H // HSPLIT, W),
                         lambda i, j: (NSC + i, 0, j, 0)),
            pl.BlockSpec((1, H // HSPLIT, W),
                         lambda i, j: (NSC + i, j, 0)),
        ],
        out_specs=pl.BlockSpec((1, 1, 128), lambda i, j: (i, 0, 0)),
        out_shape=jax.ShapeDtypeStruct((NTC, 1, 128), jnp.float32),
    )(y_pr, gt)
    return pl.pallas_call(
        _combine,
        out_shape=jax.ShapeDtypeStruct((4,), jnp.float32),
    )(sc_partials, tc_partials)

# --- scband reference (transcript-rebuilt; emitter-appended) ---
"""Pipeline reference for scband-four-metrics-9354438771278 (READ-ONLY COPY).

The authoritative reference and input builder live on the scoring server;
editing this copy changes nothing except your own understanding.
"""

import jax, jax.numpy as jnp
import numpy as np

N_CLASSES = 2
EPS = 1e-08


def setup_inputs(seed: int = 0) -> dict:
    key = jax.random.key(seed)
    k1, k2 = jax.random.split(key)
    y_pr = jax.random.normal(k1, (8, 1, 512, 512), dtype=jnp.float32)
    y_gt = jax.random.randint(k2, (8, 512, 512), 0, 2, dtype=jnp.int64)
    return {"y_pr": y_pr, "y_gt": y_gt}


def _cal_one(y_pr_i, y_gt_i):
    # is_one=True path: sigmoid, squeeze channel dim, threshold at 0.5
    p = jax.nn.sigmoid(y_pr_i)
    p = jnp.squeeze(p, axis=0)
    pred = (p > 0.5).astype(jnp.int32).reshape(-1)
    gt = y_gt_i.astype(jnp.int32).reshape(-1)
    # confusion matrix via masked bincount (histogram / scatter-add)
    mask = (gt >= 0) & (gt < N_CLASSES)
    combined = jnp.where(mask, N_CLASSES * gt + pred, N_CLASSES * N_CLASSES)
    counts = jnp.zeros(N_CLASSES * N_CLASSES + 1, dtype=jnp.float32).at[combined].add(1.0)
    cm = counts[: N_CLASSES * N_CLASSES].reshape(N_CLASSES, N_CLASSES)
    diag = jnp.diag(cm)
    sum0 = cm.sum(axis=0)
    sum1 = cm.sum(axis=1)
    precision = (diag + EPS) / (sum0 + EPS)
    recall = (diag + EPS) / (sum1 + EPS)
    f1 = 2 * precision * recall / (precision + recall)
    iou = (diag + EPS) / (sum0 + sum1 - diag + EPS)
    return jnp.stack([precision[1], recall[1], f1[1], iou[1]])


def reference(y_pr, y_gt):
    B = y_pr.shape[0]
    res = jnp.zeros(4, dtype=jnp.float32)
    for i in range(B):
        res = res + _cal_one(y_pr[i], y_gt[i])
    res = res / B
    return res

if __name__ == "__main__":
    import jax
    _d = setup_inputs()
    print(jax.jit(kernel)(*tuple(_d.values())))

</pallas_src>

<mosaic_0001>
#map = affine_map<(d0, d1) -> (0, 0, 0, 0)>
#map1 = affine_map<(d0, d1) -> (0, 0, 0)>
module attributes {stable_mosaic.version = 14 : i64} {
  func.func @_stage1(%arg0: i32, %arg1: i32, %arg2: memref<8x1x512x512xf32, #tpu.memory_space<hbm>>, %arg3: memref<8x512x512xi32, #tpu.memory_space<hbm>>, %arg4: memref<32x6x16xi32, #tpu.memory_space<hbm>>, %arg5: memref<2x16x512xf32, #tpu.memory_space<vmem>>, %arg6: memref<2x16x512xi32, #tpu.memory_space<vmem>>, %arg7: memref<6x16xi32, #tpu.memory_space<vmem>>, %arg8: memref<!tpu.dma_semaphore, #tpu.memory_space<semaphore_mem>>, %arg9: memref<!tpu.dma_semaphore, #tpu.memory_space<semaphore_mem>>, %arg10: memref<!tpu.dma_semaphore, #tpu.memory_space<semaphore_mem>>, %arg11: memref<!tpu.dma_semaphore, #tpu.memory_space<semaphore_mem>>) attributes {dimension_semantics = [#tpu.dimension_semantics<core_parallel>, #tpu.dimension_semantics<subcore_parallel>], iteration_bounds = array<i64: 2, 16>, scalar_prefetch = 0 : i64, scratch_operands = 7 : i64, tpu.core_type = #tpu.core_type<sc_vector_subcore>, window_params = [{transform_indices = #map}, {transform_indices = #map1}, {transform_indices = #map1}]} {
    %mul3A = arith.constant 2 : i32
    %mul3A_0 = arith.muli %arg1, %mul3A : i32
    %add3A = arith.addi %mul3A_0, %arg0 : i32
    %mul3A_1 = arith.constant 16 : i32
    %mul3A_2 = arith.muli %add3A, %mul3A_1 : i32
    %dma_start3A = arith.constant 0 : i32
    %dma_start3A_3 = arith.constant 0 : i32
    %dma_start3A_4 = arith.constant 0 : i32
    %dma_start3A_5 = arith.constant 0 : i32
    %dma_start3A_6 = arith.constant 0 : i32
    %dma_start3A_7 = tpu.memref_slice %arg5[%dma_start3A_4, %dma_start3A_5, %dma_start3A_6] : memref<2x16x512xf32, #tpu.memory_space<vmem>> -> memref<1x16x512xf32, #tpu.memory_space<vmem>>
    %dma_start3A_8 = tpu.memref_squeeze %dma_start3A_7 : memref<1x16x512xf32, #tpu.memory_space<vmem>> -> memref<16x512xf32, #tpu.memory_space<vmem>>
    %dma_start3A_9 = arith.constant 0 : i32
    %dma_start3A_10 = tpu.memref_slice %arg2[%dma_start3A, %dma_start3A_3, %mul3A_2, %dma_start3A_9] : memref<8x1x512x512xf32, #tpu.memory_space<hbm>> -> memref<1x1x16x512xf32, #tpu.memory_space<hbm>>
    %dma_start3A_11 = tpu.memref_squeeze %dma_start3A_10 : memref<1x1x16x512xf32, #tpu.memory_space<hbm>> -> memref<16x512xf32, #tpu.memory_space<hbm>>
    %dma_start3A_12 = arith.constant 0 : i32
    %dma_start3A_13 = arith.constant 0 : i32
    %dma_start3A_14 = tpu.memref_slice %arg5[%dma_start3A_4, %dma_start3A_12, %dma_start3A_13] : memref<2x16x512xf32, #tpu.memory_space<vmem>> -> memref<1x16x512xf32, #tpu.memory_space<vmem>>
    %dma_start3A_15 = tpu.memref_squeeze %dma_start3A_14 : memref<1x16x512xf32, #tpu.memory_space<vmem>> -> memref<16x512xf32, #tpu.memory_space<vmem>>
    %dma_start3A_16 = arith.constant 0 : i32
    %dma_start3A_17 = tpu.memref_slice %arg2[%dma_start3A, %dma_start3A_3, %mul3A_2, %dma_start3A_16] : memref<8x1x512x512xf32, #tpu.memory_space<hbm>> -> memref<1x1x16x512xf32, #tpu.memory_space<hbm>>
    %dma_start3A_18 = tpu.memref_squeeze %dma_start3A_17 : memref<1x1x16x512xf32, #tpu.memory_space<hbm>> -> memref<16x512xf32, #tpu.memory_space<hbm>>
    tpu.enqueue_dma source(%dma_start3A_18 : memref<16x512xf32, #tpu.memory_space<hbm>>) target(%dma_start3A_15 : memref<16x512xf32, #tpu.memory_space<vmem>>) target_semaphore(%arg8 : memref<!tpu.dma_semaphore, #tpu.memory_space<semaphore_mem>>)
    %dma_start3A_19 = arith.constant 0 : i32
    %dma_start3A_20 = arith.constant 0 : i32
    %dma_start3A_21 = arith.constant 0 : i32
    %dma_start3A_22 = arith.constant 0 : i32
    %dma_start3A_23 = tpu.memref_slice %arg6[%dma_start3A_20, %dma_start3A_21, %dma_start3A_22] : memref<2x16x512xi32, #tpu.memory_space<vmem>> -> memref<1x16x512xi32, #tpu.memory_space<vmem>>
    %dma_start3A_24 = tpu.memref_squeeze %dma_start3A_23 : memref<1x16x512xi32, #tpu.memory_space<vmem>> -> memref<16x512xi32, #tpu.memory_space<vmem>>
    %dma_start3A_25 = arith.constant 0 : i32
    %dma_start3A_26 = tpu.memref_slice %arg3[%dma_start3A_19, %mul3A_2, %dma_start3A_25] : memref<8x512x512xi32, #tpu.memory_space<hbm>> -> memref<1x16x512xi32, #tpu.memory_space<hbm>>
    %dma_start3A_27 = tpu.memref_squeeze %dma_start3A_26 : memref<1x16x512xi32, #tpu.memory_space<hbm>> -> memref<16x512xi32, #tpu.memory_space<hbm>>
    %dma_start3A_28 = arith.constant 0 : i32
    %dma_start3A_29 = arith.constant 0 : i32
    %dma_start3A_30 = tpu.memref_slice %arg6[%dma_start3A_20, %dma_start3A_28, %dma_start3A_29] : memref<2x16x512xi32, #tpu.memory_space<vmem>> -> memref<1x16x512xi32, #tpu.memory_space<vmem>>
    %dma_start3A_31 = tpu.memref_squeeze %dma_start3A_30 : memref<1x16x512xi32, #tpu.memory_space<vmem>> -> memref<16x512xi32, #tpu.memory_space<vmem>>
    %dma_start3A_32 = arith.constant 0 : i32
    %dma_start3A_33 = tpu.memref_slice %arg3[%dma_start3A_19, %mul3A_2, %dma_start3A_32] : memref<8x512x512xi32, #tpu.memory_space<hbm>> -> memref<1x16x512xi32, #tpu.memory_space<hbm>>
    %dma_start3A_34 = tpu.memref_squeeze %dma_start3A_33 : memref<1x16x512xi32, #tpu.memory_space<hbm>> -> memref<16x512xi32, #tpu.memory_space<hbm>>
    tpu.enqueue_dma source(%dma_start3A_34 : memref<16x512xi32, #tpu.memory_space<hbm>>) target(%dma_start3A_31 : memref<16x512xi32, #tpu.memory_space<vmem>>) target_semaphore(%arg10 : memref<!tpu.dma_semaphore, #tpu.memory_space<semaphore_mem>>)
    %dma_start3A_35 = arith.constant 1 : i32
    %dma_start3A_36 = arith.constant 0 : i32
    %dma_start3A_37 = arith.constant 1 : i32
    %dma_start3A_38 = arith.constant 0 : i32
    %dma_start3A_39 = arith.constant 0 : i32
    %dma_start3A_40 = tpu.memref_slice %arg5[%dma_start3A_37, %dma_start3A_38, %dma_start3A_39] : memref<2x16x512xf32, #tpu.memory_space<vmem>> -> memref<1x16x512xf32, #tpu.memory_space<vmem>>
    %dma_start3A_41 = tpu.memref_squeeze %dma_start3A_40 : memref<1x16x512xf32, #tpu.memory_space<vmem>> -> memref<16x512xf32, #tpu.memory_space<vmem>>
    %dma_start3A_42 = arith.constant 0 : i32
    %dma_start3A_43 = tpu.memref_slice %arg2[%dma_start3A_35, %dma_start3A_36, %mul3A_2, %dma_start3A_42] : memref<8x1x512x512xf32, #tpu.memory_space<hbm>> -> memref<1x1x16x512xf32, #tpu.memory_space<hbm>>
    %dma_start3A_44 = tpu.memref_squeeze %dma_start3A_43 : memref<1x1x16x512xf32, #tpu.memory_space<hbm>> -> memref<16x512xf32, #tpu.memory_space<hbm>>
    %dma_start3A_45 = arith.constant 0 : i32
    %dma_start3A_46 = arith.constant 0 : i32
    %dma_start3A_47 = tpu.memref_slice %arg5[%dma_start3A_37, %dma_start3A_45, %dma_start3A_46] : memref<2x16x512xf32, #tpu.memory_space<vmem>> -> memref<1x16x512xf32, #tpu.memory_space<vmem>>
    %dma_start3A_48 = tpu.memref_squeeze %dma_start3A_47 : memref<1x16x512xf32, #tpu.memory_space<vmem>> -> memref<16x512xf32, #tpu.memory_space<vmem>>
    %dma_start3A_49 = arith.constant 0 : i32
    %dma_start3A_50 = tpu.memref_slice %arg2[%dma_start3A_35, %dma_start3A_36, %mul3A_2, %dma_start3A_49] : memref<8x1x512x512xf32, #tpu.memory_space<hbm>> -> memref<1x1x16x512xf32, #tpu.memory_space<hbm>>
    %dma_start3A_51 = tpu.memref_squeeze %dma_start3A_50 : memref<1x1x16x512xf32, #tpu.memory_space<hbm>> -> memref<16x512xf32, #tpu.memory_space<hbm>>
    tpu.enqueue_dma source(%dma_start3A_51 : memref<16x512xf32, #tpu.memory_space<hbm>>) target(%dma_start3A_48 : memref<16x512xf32, #tpu.memory_space<vmem>>) target_semaphore(%arg9 : memref<!tpu.dma_semaphore, #tpu.memory_space<semaphore_mem>>)
    %dma_start3A_52 = arith.constant 1 : i32
    %dma_start3A_53 = arith.constant 1 : i32
    %dma_start3A_54 = arith.constant 0 : i32
    %dma_start3A_55 = arith.constant 0 : i32
    %dma_start3A_56 = tpu.memref_slice %arg6[%dma_start3A_53, %dma_start3A_54, %dma_start3A_55] : memref<2x16x512xi32, #tpu.memory_space<vmem>> -> memref<1x16x512xi32, #tpu.memory_space<vmem>>
    %dma_start3A_57 = tpu.memref_squeeze %dma_start3A_56 : memref<1x16x512xi32, #tpu.memory_space<vmem>> -> memref<16x512xi32, #tpu.memory_space<vmem>>
    %dma_start3A_58 = arith.constant 0 : i32
    %dma_start3A_59 = tpu.memref_slice %arg3[%dma_start3A_52, %mul3A_2, %dma_start3A_58] : memref<8x512x512xi32, #tpu.memory_space<hbm>> -> memref<1x16x512xi32, #tpu.memory_space<hbm>>
    %dma_start3A_60 = tpu.memref_squeeze %dma_start3A_59 : memref<1x16x512xi32, #tpu.memory_space<hbm>> -> memref<16x512xi32, #tpu.memory_space<hbm>>
    %dma_start3A_61 = arith.constant 0 : i32
    %dma_start3A_62 = arith.constant 0 : i32
    %dma_start3A_63 = tpu.memref_slice %arg6[%dma_start3A_53, %dma_start3A_61, %dma_start3A_62] : memref<2x16x512xi32, #tpu.memory_space<vmem>> -> memref<1x16x512xi32, #tpu.memory_space<vmem>>
    %dma_start3A_64 = tpu.memref_squeeze %dma_start3A_63 : memref<1x16x512xi32, #tpu.memory_space<vmem>> -> memref<16x512xi32, #tpu.memory_space<vmem>>
    %dma_start3A_65 = arith.constant 0 : i32
    %dma_start3A_66 = tpu.memref_slice %arg3[%dma_start3A_52, %mul3A_2, %dma_start3A_65] : memref<8x512x512xi32, #tpu.memory_space<hbm>> -> memref<1x16x512xi32, #tpu.memory_space<hbm>>
    %dma_start3A_67 = tpu.memref_squeeze %dma_start3A_66 : memref<1x16x512xi32, #tpu.memory_space<hbm>> -> memref<16x512xi32, #tpu.memory_space<hbm>>
    tpu.enqueue_dma source(%dma_start3A_67 : memref<16x512xi32, #tpu.memory_space<hbm>>) target(%dma_start3A_64 : memref<16x512xi32, #tpu.memory_space<vmem>>) target_semaphore(%arg11 : memref<!tpu.dma_semaphore, #tpu.memory_space<semaphore_mem>>)
    %broadcast_in_dim3A = arith.constant 0 : i32
    %broadcast_in_dim3A_68 = vector.broadcast %broadcast_in_dim3A : i32 to vector<16xi32>
    %dma_wait3A = arith.constant 0 : i32
    %dma_wait3A_69 = arith.constant 0 : i32
    %dma_wait3A_70 = arith.constant 0 : i32
    %dma_wait3A_71 = arith.constant 0 : i32
    %dma_wait3A_72 = arith.constant 0 : i32
    %dma_wait3A_73 = tpu.memref_slice %arg5[%dma_wait3A_70, %dma_wait3A_71, %dma_wait3A_72] : memref<2x16x512xf32, #tpu.memory_space<vmem>> -> memref<1x16x512xf32, #tpu.memory_space<vmem>>
    %dma_wait3A_74 = tpu.memref_squeeze %dma_wait3A_73 : memref<1x16x512xf32, #tpu.memory_space<vmem>> -> memref<16x512xf32, #tpu.memory_space<vmem>>
    %dma_wait3A_75 = arith.constant 0 : i32
    %dma_wait3A_76 = tpu.memref_slice %arg2[%dma_wait3A, %dma_wait3A_69, %mul3A_2, %dma_wait3A_75] : memref<8x1x512x512xf32, #tpu.memory_space<hbm>> -> memref<1x1x16x512xf32, #tpu.memory_space<hbm>>
    %dma_wait3A_77 = tpu.memref_squeeze %dma_wait3A_76 : memref<1x1x16x512xf32, #tpu.memory_space<hbm>> -> memref<16x512xf32, #tpu.memory_space<hbm>>
    %dma_wait3A_78 = arith.constant 0 : i32
    %dma_wait3A_79 = arith.constant 0 : i32
    %dma_wait3A_80 = tpu.memref_slice %arg5[%dma_wait3A_70, %dma_wait3A_78, %dma_wait3A_79] : memref<2x16x512xf32, #tpu.memory_space<vmem>> -> memref<1x16x512xf32, #tpu.memory_space<vmem>>
    %dma_wait3A_81 = tpu.memref_squeeze %dma_wait3A_80 : memref<1x16x512xf32, #tpu.memory_space<vmem>> -> memref<16x512xf32, #tpu.memory_space<vmem>>
    %dma_wait3A_82 = arith.constant 0 : i32
    %dma_wait3A_83 = tpu.memref_slice %arg2[%dma_wait3A, %dma_wait3A_69, %mul3A_2, %dma_wait3A_82] : memref<8x1x512x512xf32, #tpu.memory_space<hbm>> -> memref<1x1x16x512xf32, #tpu.memory_space<hbm>>
    %dma_wait3A_84 = tpu.memref_squeeze %dma_wait3A_83 : memref<1x1x16x512xf32, #tpu.memory_space<hbm>> -> memref<16x512xf32, #tpu.memory_space<hbm>>
    tpu.wait_dma2 semaphore(%arg8 : memref<!tpu.dma_semaphore, #tpu.memory_space<semaphore_mem>>) src(%dma_wait3A_84 : memref<16x512xf32, #tpu.memory_space<hbm>>) dst(%dma_wait3A_81 : memref<16x512xf32, #tpu.memory_space<vmem>>)
    %dma_wait3A_85 = arith.constant 0 : i32
    %dma_wait3A_86 = arith.constant 0 : i32
    %dma_wait3A_87 = arith.constant 0 : i32
    %dma_wait3A_88 = arith.constant 0 : i32
    %dma_wait3A_89 = tpu.memref_slice %arg6[%dma_wait3A_86, %dma_wait3A_87, %dma_wait3A_88] : memref<2x16x512xi32, #tpu.memory_space<vmem>> -> memref<1x16x512xi32, #tpu.memory_space<vmem>>
    %dma_wait3A_90 = tpu.memref_squeeze %dma_wait3A_89 : memref<1x16x512xi32, #tpu.memory_space<vmem>> -> memref<16x512xi32, #tpu.memory_space<vmem>>
    %dma_wait3A_91 = arith.constant 0 : i32
    %dma_wait3A_92 = tpu.memref_slice %arg3[%dma_wait3A_85, %mul3A_2, %dma_wait3A_91] : memref<8x512x512xi32, #tpu.memory_space<hbm>> -> memref<1x16x512xi32, #tpu.memory_space<hbm>>
    %dma_wait3A_93 = tpu.memref_squeeze %dma_wait3A_92 : memref<1x16x512xi32, #tpu.memory_space<hbm>> -> memref<16x512xi32, #tpu.memory_space<hbm>>
    %dma_wait3A_94 = arith.constant 0 : i32
    %dma_wait3A_95 = arith.constant 0 : i32
    %dma_wait3A_96 = tpu.memref_slice %arg6[%dma_wait3A_86, %dma_wait3A_94, %dma_wait3A_95] : memref<2x16x512xi32, #tpu.memory_space<vmem>> -> memref<1x16x512xi32, #tpu.memory_space<vmem>>
    %dma_wait3A_97 = tpu.memref_squeeze %dma_wait3A_96 : memref<1x16x512xi32, #tpu.memory_space<vmem>> -> memref<16x512xi32, #tpu.memory_space<vmem>>
    %dma_wait3A_98 = arith.constant 0 : i32
    %dma_wait3A_99 = tpu.memref_slice %arg3[%dma_wait3A_85, %mul3A_2, %dma_wait3A_98] : memref<8x512x512xi32, #tpu.memory_space<hbm>> -> memref<1x16x512xi32, #tpu.memory_space<hbm>>
    %dma_wait3A_100 = tpu.memref_squeeze %dma_wait3A_99 : memref<1x16x512xi32, #tpu.memory_space<hbm>> -> memref<16x512xi32, #tpu.memory_space<hbm>>
    tpu.wait_dma2 semaphore(%arg10 : memref<!tpu.dma_semaphore, #tpu.memory_space<semaphore_mem>>) src(%dma_wait3A_100 : memref<16x512xi32, #tpu.memory_space<hbm>>) dst(%dma_wait3A_97 : memref<16x512xi32, #tpu.memory_space<vmem>>)
    %scan3A = arith.constant 0 : i32
    %scan3A_101 = arith.constant 32 : i32
    %scan3A_102 = arith.addi %scan3A, %scan3A_101 : i32
    %scan3A_103 = arith.constant 1 : i32
    %scan3A_104:12 = scf.for %scan3A_198 = %scan3A to %scan3A_102 step %scan3A_103 iter_args(%scan3A_199 = %broadcast_in_dim3A_68, %scan3A_200 = %broadcast_in_dim3A_68, %scan3A_201 = %broadcast_in_dim3A_68, %scan3A_202 = %broadcast_in_dim3A_68, %scan3A_203 = %broadcast_in_dim3A_68, %scan3A_204 = %broadcast_in_dim3A_68, %scan3A_205 = %broadcast_in_dim3A_68, %scan3A_206 = %broadcast_in_dim3A_68, %scan3A_207 = %broadcast_in_dim3A_68, %scan3A_208 = %broadcast_in_dim3A_68, %scan3A_209 = %broadcast_in_dim3A_68, %scan3A_210 = %broadcast_in_dim3A_68) -> (vector<16xi32>, vector<16xi32>, vector<16xi32>, vector<16xi32>, vector<16xi32>, vector<16xi32>, vector<16xi32>, vector<16xi32>, vector<16xi32>, vector<16xi32>, vector<16xi32>, vector<16xi32>)  : i32 {
      %mul3A_211 = arith.constant 16 : i32
      %mul3A_212 = arith.muli %scan3A_198, %mul3A_211 : i32
      %get3A = arith.constant 0 : i32
      %get3A_213 = arith.constant 0 : i32
      %get3A_214 = arith.index_cast %get3A : i32 to index
      %get3A_215 = arith.index_cast %get3A_213 : i32 to index
      %get3A_216 = arith.index_cast %mul3A_212 : i32 to index
      %get3A_217 = tpu.vector_load %arg5[%get3A_214, %get3A_215, %get3A_216] {strides = array<i32>} : memref<2x16x512xf32, #tpu.memory_space<vmem>>, vector<1x1x16xf32>,
      %get3A_218 = vector.shape_cast %get3A_217 : vector<1x1x16xf32> to vector<16xf32>
      %get3A_219 = arith.constant 0 : i32
      %get3A_220 = arith.constant 0 : i32
      %get3A_221 = arith.index_cast %get3A_219 : i32 to index
      %get3A_222 = arith.index_cast %get3A_220 : i32 to index
      %get3A_223 = arith.index_cast %mul3A_212 : i32 to index
      %get3A_224 = tpu.vector_load %arg6[%get3A_221, %get3A_222, %get3A_223] {strides = array<i32>} : memref<2x16x512xi32, #tpu.memory_space<vmem>>, vector<1x1x16xi32>,
      %get3A_225 = vector.shape_cast %get3A_224 : vector<1x1x16xi32> to vector<16xi32>
      %gt3A = arith.constant 0.000000e+00 : f32
      %gt3A_226 = vector.broadcast %gt3A : f32 to vector<16xf32>
      %gt3A_227 = arith.cmpf ogt, %get3A_218, %gt3A_226 : vector<16xf32>
      %jit3A = arith.constant 0 : i32
      %broadcast_in_dim3A_228 = vector.broadcast %jit3A : i32 to vector<16xi32>
      %select_n3A = arith.select %gt3A_227, %get3A_225, %broadcast_in_dim3A_228 : vector<16xi1>, vector<16xi32>
      %add3A_229 = arith.addi %scan3A_199, %select_n3A : vector<16xi32>
      %jit3A_230 = arith.constant 1 : i32
      %jit3A_231 = arith.constant 0 : i32
      %broadcast_in_dim3A_232 = vector.broadcast %jit3A_230 : i32 to vector<16xi32>
      %broadcast_in_dim3A_233 = vector.broadcast %jit3A_231 : i32 to vector<16xi32>
      %select_n3A_234 = arith.select %gt3A_227, %broadcast_in_dim3A_232, %broadcast_in_dim3A_233 : vector<16xi1>, vector<16xi32>
      %add3A_235 = arith.addi %scan3A_203, %select_n3A_234 : vector<16xi32>
      %add3A_236 = arith.addi %scan3A_207, %get3A_225 : vector<16xi32>
      %get3A_237 = arith.constant 0 : i32
      %get3A_238 = arith.constant 1 : i32
      %get3A_239 = arith.index_cast %get3A_237 : i32 to index
      %get3A_240 = arith.index_cast %get3A_238 : i32 to index
      %get3A_241 = arith.index_cast %mul3A_212 : i32 to index
      %get3A_242 = tpu.vector_load %arg5[%get3A_239, %get3A_240, %get3A_241] {strides = array<i32>} : memref<2x16x512xf32, #tpu.memory_space<vmem>>, vector<1x1x16xf32>,
      %get3A_243 = vector.shape_cast %get3A_242 : vector<1x1x16xf32> to vector<16xf32>
      %get3A_244 = arith.constant 0 : i32
      %get3A_245 = arith.constant 1 : i32
      %get3A_246 = arith.index_cast %get3A_244 : i32 to index
      %get3A_247 = arith.index_cast %get3A_245 : i32 to index
      %get3A_248 = arith.index_cast %mul3A_212 : i32 to index
      %get3A_249 = tpu.vector_load %arg6[%get3A_246, %get3A_247, %get3A_248] {strides = array<i32>} : memref<2x16x512xi32, #tpu.memory_space<vmem>>, vector<1x1x16xi32>,
      %get3A_250 = vector.shape_cast %get3A_249 : vector<1x1x16xi32> to vector<16xi32>
      %gt3A_251 = arith.constant 0.000000e+00 : f32
      %gt3A_252 = vector.broadcast %gt3A_251 : f32 to vector<16xf32>
      %gt3A_253 = arith.cmpf ogt, %get3A_243, %gt3A_252 : vector<16xf32>
      %jit3A_254 = arith.constant 0 : i32
      %broadcast_in_dim3A_255 = vector.broadcast %jit3A_254 : i32 to vector<16xi32>
      %select_n3A_256 = arith.select %gt3A_253, %get3A_250, %broadcast_in_dim3A_255 : vector<16xi1>, vector<16xi32>
      %add3A_257 = arith.addi %scan3A_200, %select_n3A_256 : vector<16xi32>
      %jit3A_258 = arith.constant 1 : i32
      %jit3A_259 = arith.constant 0 : i32
      %broadcast_in_dim3A_260 = vector.broadcast %jit3A_258 : i32 to vector<16xi32>
      %broadcast_in_dim3A_261 = vector.broadcast %jit3A_259 : i32 to vector<16xi32>
      %select_n3A_262 = arith.select %gt3A_253, %broadcast_in_dim3A_260, %broadcast_in_dim3A_261 : vector<16xi1>, vector<16xi32>
      %add3A_263 = arith.addi %scan3A_204, %select_n3A_262 : vector<16xi32>
      %add3A_264 = arith.addi %scan3A_208, %get3A_250 : vector<16xi32>
      %get3A_265 = arith.constant 0 : i32
      %get3A_266 = arith.constant 2 : i32
      %get3A_267 = arith.index_cast %get3A_265 : i32 to index
      %get3A_268 = arith.index_cast %get3A_266 : i32 to index
      %get3A_269 = arith.index_cast %mul3A_212 : i32 to index
      %get3A_270 = tpu.vector_load %arg5[%get3A_267, %get3A_268, %get3A_269] {strides = array<i32>} : memref<2x16x512xf32, #tpu.memory_space<vmem>>, vector<1x1x16xf32>,
      %get3A_271 = vector.shape_cast %get3A_270 : vector<1x1x16xf32> to vector<16xf32>
      %get3A_272 = arith.constant 0 : i32
      %get3A_273 = arith.constant 2 : i32
      %get3A_274 = arith.index_cast %get3A_272 : i32 to index
      %get3A_275 = arith.index_cast %get3A_273 : i32 to index
      %get3A_276 = arith.index_cast %mul3A_212 : i32 to index
      %get3A_277 = tpu.vector_load %arg6[%get3A_274, %get3A_275, %get3A_276] {strides = array<i32>} : memref<2x16x512xi32, #tpu.memory_space<vmem>>, vector<1x1x16xi32>,
      %get3A_278 = vector.shape_cast %get3A_277 : vector<1x1x16xi32> to vector<16xi32>
      %gt3A_279 = arith.constant 0.000000e+00 : f32
      %gt3A_280 = vector.broadcast %gt3A_279 : f32 to vector<16xf32>
      %gt3A_281 = arith.cmpf ogt, %get3A_271, %gt3A_280 : vector<16xf32>
      %jit3A_282 = arith.constant 0 : i32
      %broadcast_in_dim3A_283 = vector.broadcast %jit3A_282 : i32 to vector<16xi32>
      %select_n3A_284 = arith.select %gt3A_281, %get3A_278, %broadcast_in_dim3A_283 : vector<16xi1>, vector<16xi32>
      %add3A_285 = arith.addi %scan3A_201, %select_n3A_284 : vector<16xi32>
      %jit3A_286 = arith.constant 1 : i32
      %jit3A_287 = arith.constant 0 : i32
      %broadcast_in_dim3A_288 = vector.broadcast %jit3A_286 : i32 to vector<16xi32>
      %broadcast_in_dim3A_289 = vector.broadcast %jit3A_287 : i32 to vector<16xi32>
      %select_n3A_290 = arith.select %gt3A_281, %broadcast_in_dim3A_288, %broadcast_in_dim3A_289 : vector<16xi1>, vector<16xi32>
      %add3A_291 = arith.addi %scan3A_205, %select_n3A_290 : vector<16xi32>
      %add3A_292 = arith.addi %scan3A_209, %get3A_278 : vector<16xi32>
      %get3A_293 = arith.constant 0 : i32
      %get3A_294 = arith.constant 3 : i32
      %get3A_295 = arith.index_cast %get3A_293 : i32 to index
      %get3A_296 = arith.index_cast %get3A_294 : i32 to index
      %get3A_297 = arith.index_cast %mul3A_212 : i32 to index
      %get3A_298 = tpu.vector_load %arg5[%get3A_295, %get3A_296, %get3A_297] {strides = array<i32>} : memref<2x16x512xf32, #tpu.memory_space<vmem>>, vector<1x1x16xf32>,
      %get3A_299 = vector.shape_cast %get3A_298 : vector<1x1x16xf32> to vector<16xf32>
      %get3A_300 = arith.constant 0 : i32
      %get3A_301 = arith.constant 3 : i32
      %get3A_302 = arith.index_cast %get3A_300 : i32 to index
      %get3A_303 = arith.index_cast %get3A_301 : i32 to index
      %get3A_304 = arith.index_cast %mul3A_212 : i32 to index
      %get3A_305 = tpu.vector_load %arg6[%get3A_302, %get3A_303, %get3A_304] {strides = array<i32>} : memref<2x16x512xi32, #tpu.memory_space<vmem>>, vector<1x1x16xi32>,
      %get3A_306 = vector.shape_cast %get3A_305 : vector<1x1x16xi32> to vector<16xi32>
      %gt3A_307 = arith.constant 0.000000e+00 : f32
      %gt3A_308 = vector.broadcast %gt3A_307 : f32 to vector<16xf32>
      %gt3A_309 = arith.cmpf ogt, %get3A_299, %gt3A_308 : vector<16xf32>
      %jit3A_310 = arith.constant 0 : i32
      %broadcast_in_dim3A_311 = vector.broadcast %jit3A_310 : i32 to vector<16xi32>
      %select_n3A_312 = arith.select %gt3A_309, %get3A_306, %broadcast_in_dim3A_311 : vector<16xi1>, vector<16xi32>
      %add3A_313 = arith.addi %scan3A_202, %select_n3A_312 : vector<16xi32>
      %jit3A_314 = arith.constant 1 : i32
      %jit3A_315 = arith.constant 0 : i32
      %broadcast_in_dim3A_316 = vector.broadcast %jit3A_314 : i32 to vector<16xi32>
      %broadcast_in_dim3A_317 = vector.broadcast %jit3A_315 : i32 to vector<16xi32>
      %select_n3A_318 = arith.select %gt3A_309, %broadcast_in_dim3A_316, %broadcast_in_dim3A_317 : vector<16xi1>, vector<16xi32>
      %add3A_319 = arith.addi %scan3A_206, %select_n3A_318 : vector<16xi32>
      %add3A_320 = arith.addi %scan3A_210, %get3A_306 : vector<16xi32>
      %get3A_321 = arith.constant 0 : i32
      %get3A_322 = arith.constant 4 : i32
      %get3A_323 = arith.index_cast %get3A_321 : i32 to index
      %get3A_324 = arith.index_cast %get3A_322 : i32 to index
      %get3A_325 = arith.index_cast %mul3A_212 : i32 to index
      %get3A_326 = tpu.vector_load %arg5[%get3A_323, %get3A_324, %get3A_325] {strides = array<i32>} : memref<2x16x512xf32, #tpu.memory_space<vmem>>, vector<1x1x16xf32>,
      %get3A_327 = vector.shape_cast %get3A_326 : vector<1x1x16xf32> to vector<16xf32>
      %get3A_328 = arith.constant 0 : i32
      %get3A_329 = arith.constant 4 : i32
      %get3A_330 = arith.index_cast %get3A_328 : i32 to index
      %get3A_331 = arith.index_cast %get3A_329 : i32 to index
      %get3A_332 = arith.index_cast %mul3A_212 : i32 to index
      %get3A_333 = tpu.vector_load %arg6[%get3A_330, %get3A_331, %get3A_332] {strides = array<i32>} : memref<2x16x512xi32, #tpu.memory_space<vmem>>, vector<1x1x16xi32>,
      %get3A_334 = vector.shape_cast %get3A_333 : vector<1x1x16xi32> to vector<16xi32>
      %gt3A_335 = arith.constant 0.000000e+00 : f32
      %gt3A_336 = vector.broadcast %gt3A_335 : f32 to vector<16xf32>
      %gt3A_337 = arith.cmpf ogt, %get3A_327, %gt3A_336 : vector<16xf32>
      %jit3A_338 = arith.constant 0 : i32
      %broadcast_in_dim3A_339 = vector.broadcast %jit3A_338 : i32 to vector<16xi32>
      %select_n3A_340 = arith.select %gt3A_337, %get3A_334, %broadcast_in_dim3A_339 : vector<16xi1>, vector<16xi32>
      %add3A_341 = arith.addi %add3A_229, %select_n3A_340 : vector<16xi32>
      %jit3A_342 = arith.constant 1 : i32
      %jit3A_343 = arith.constant 0 : i32
      %broadcast_in_dim3A_344 = vector.broadcast %jit3A_342 : i32 to vector<16xi32>
      %broadcast_in_dim3A_345 = vector.broadcast %jit3A_343 : i32 to vector<16xi32>
      %select_n3A_346 = arith.select %gt3A_337, %broadcast_in_dim3A_344, %broadcast_in_dim3A_345 : vector<16xi1>, vector<16xi32>
      %add3A_347 = arith.addi %add3A_235, %select_n3A_346 : vector<16xi32>
      %add3A_348 = arith.addi %add3A_236, %get3A_334 : vector<16xi32>
      %get3A_349 = arith.constant 0 : i32
      %get3A_350 = arith.constant 5 : i32
      %get3A_351 = arith.index_cast %get3A_349 : i32 to index
      %get3A_352 = arith.index_cast %get3A_350 : i32 to index
      %get3A_353 = arith.index_cast %mul3A_212 : i32 to index
      %get3A_354 = tpu.vector_load %arg5[%get3A_351, %get3A_352, %get3A_353] {strides = array<i32>} : memref<2x16x512xf32, #tpu.memory_space<vmem>>, vector<1x1x16xf32>,
      %get3A_355 = vector.shape_cast %get3A_354 : vector<1x1x16xf32> to vector<16xf32>
      %get3A_356 = arith.constant 0 : i32
      %get3A_357 = arith.constant 5 : i32
      %get3A_358 = arith.index_cast %get3A_356 : i32 to index
      %get3A_359 = arith.index_cast %get3A_357 : i32 to index
      %get3A_360 = arith.index_cast %mul3A_212 : i32 to index
      %get3A_361 = tpu.vector_load %arg6[%get3A_358, %get3A_359, %get3A_360] {strides = array<i32>} : memref<2x16x512xi32, #tpu.memory_space<vmem>>, vector<1x1x16xi32>,
      %get3A_362 = vector.shape_cast %get3A_361 : vector<1x1x16xi32> to vector<16xi32>
      %gt3A_363 = arith.constant 0.000000e+00 : f32
      %gt3A_364 = vector.broadcast %gt3A_363 : f32 to vector<16xf32>
      %gt3A_365 = arith.cmpf ogt, %get3A_355, %gt3A_364 : vector<16xf32>
      %jit3A_366 = arith.constant 0 : i32
      %broadcast_in_dim3A_367 = vector.broadcast %jit3A_366 : i32 to vector<16xi32>
      %select_n3A_368 = arith.select %gt3A_365, %get3A_362, %broadcast_in_dim3A_367 : vector<16xi1>, vector<16xi32>
      %add3A_369 = arith.addi %add3A_257, %select_n3A_368 : vector<16xi32>
      %jit3A_370 = arith.constant 1 : i32
      %jit3A_371 = arith.constant 0 : i32
      %broadcast_in_dim3A_372 = vector.broadcast %jit3A_370 : i32 to vector<16xi32>
      %broadcast_in_dim3A_373 = vector.broadcast %jit3A_371 : i32 to vector<16xi32>
      %select_n3A_374 = arith.select %gt3A_365, %broadcast_in_dim3A_372, %broadcast_in_dim3A_373 : vector<16xi1>, vector<16xi32>
      %add3A_375 = arith.addi %add3A_263, %select_n3A_374 : vector<16xi32>
      %add3A_376 = arith.addi %add3A_264, %get3A_362 : vector<16xi32>
      %get3A_377 = arith.constant 0 : i32
      %get3A_378 = arith.constant 6 : i32
      %get3A_379 = arith.index_cast %get3A_377 : i32 to index
      %get3A_380 = arith.index_cast %get3A_378 : i32 to index
      %get3A_381 = arith.index_cast %mul3A_212 : i32 to index
      %get3A_382 = tpu.vector_load %arg5[%get3A_379, %get3A_380, %get3A_381] {strides = array<i32>} : memref<2x16x512xf32, #tpu.memory_space<vmem>>, vector<1x1x16xf32>,
      %get3A_383 = vector.shape_cast %get3A_382 : vector<1x1x16xf32> to vector<16xf32>
      %get3A_384 = arith.constant 0 : i32
      %get3A_385 = arith.constant 6 : i32
      %get3A_386 = arith.index_cast %get3A_384 : i32 to index
      %get3A_387 = arith.index_cast %get3A_385 : i32 to index
      %get3A_388 = arith.index_cast %mul3A_212 : i32 to index
      %get3A_389 = tpu.vector_load %arg6[%get3A_386, %get3A_387, %get3A_388] {strides = array<i32>} : memref<2x16x512xi32, #tpu.memory_space<vmem>>, vector<1x1x16xi32>,
      %get3A_390 = vector.shape_cast %get3A_389 : vector<1x1x16xi32> to vector<16xi32>
      %gt3A_391 = arith.constant 0.000000e+00 : f32
      %gt3A_392 = vector.broadcast %gt3A_391 : f32 to vector<16xf32>
      %gt3A_393 = arith.cmpf ogt, %get3A_383, %gt3A_392 : vector<16xf32>
      %jit3A_394 = arith.constant 0 : i32
      %broadcast_in_dim3A_395 = vector.broadcast %jit3A_394 : i32 to vector<16xi32>
      %select_n3A_396 = arith.select %gt3A_393, %get3A_390, %broadcast_in_dim3A_395 : vector<16xi1>, vector<16xi32>
      %add3A_397 = arith.addi %add3A_285, %select_n3A_396 : vector<16xi32>
      %jit3A_398 = arith.constant 1 : i32
      %jit3A_399 = arith.constant 0 : i32
      %broadcast_in_dim3A_400 = vector.broadcast %jit3A_398 : i32 to vector<16xi32>
      %broadcast_in_dim3A_401 = vector.broadcast %jit3A_399 : i32 to vector<16xi32>
      %select_n3A_402 = arith.select %gt3A_393, %broadcast_in_dim3A_400, %broadcast_in_dim3A_401 : vector<16xi1>, vector<16xi32>
      %add3A_403 = arith.addi %add3A_291, %select_n3A_402 : vector<16xi32>
      %add3A_404 = arith.addi %add3A_292, %get3A_390 : vector<16xi32>
      %get3A_405 = arith.constant 0 : i32
      %get3A_406 = arith.constant 7 : i32
      %get3A_407 = arith.index_cast %get3A_405 : i32 to index
      %get3A_408 = arith.index_cast %get3A_406 : i32 to index
      %get3A_409 = arith.index_cast %mul3A_212 : i32 to index
      %get3A_410 = tpu.vector_load %arg5[%get3A_407, %get3A_408, %get3A_409] {strides = array<i32>} : memref<2x16x512xf32, #tpu.memory_space<vmem>>, vector<1x1x16xf32>,
      %get3A_411 = vector.shape_cast %get3A_410 : vector<1x1x16xf32> to vector<16xf32>
      %get3A_412 = arith.constant 0 : i32
      %get3A_413 = arith.constant 7 : i32
      %get3A_414 = arith.index_cast %get3A_412 : i32 to index
      %get3A_415 = arith.index_cast %get3A_413 : i32 to index
      %get3A_416 = arith.index_cast %mul3A_212 : i32 to index
      %get3A_417 = tpu.vector_load %arg6[%get3A_414, %get3A_415, %get3A_416] {strides = array<i32>} : memref<2x16x512xi32, #tpu.memory_space<vmem>>, vector<1x1x16xi32>,
      %get3A_418 = vector.shape_cast %get3A_417 : vector<1x1x16xi32> to vector<16xi32>
      %gt3A_419 = arith.constant 0.000000e+00 : f32
      %gt3A_420 = vector.broadcast %gt3A_419 : f32 to vector<16xf32>
      %gt3A_421 = arith.cmpf ogt, %get3A_411, %gt3A_420 : vector<16xf32>
      %jit3A_422 = arith.constant 0 : i32
      %broadcast_in_dim3A_423 = vector.broadcast %jit3A_422 : i32 to vector<16xi32>
      %select_n3A_424 = arith.select %gt3A_421, %get3A_418, %broadcast_in_dim3A_423 : vector<16xi1>, vector<16xi32>
      %add3A_425 = arith.addi %add3A_313, %select_n3A_424 : vector<16xi32>
      %jit3A_426 = arith.constant 1 : i32
      %jit3A_427 = arith.constant 0 : i32
      %broadcast_in_dim3A_428 = vector.broadcast %jit3A_426 : i32 to vector<16xi32>
      %broadcast_in_dim3A_429 = vector.broadcast %jit3A_427 : i32 to vector<16xi32>
      %select_n3A_430 = arith.select %gt3A_421, %broadcast_in_dim3A_428, %broadcast_in_dim3A_429 : vector<16xi1>, vector<16xi32>
      %add3A_431 = arith.addi %add3A_319, %select_n3A_430 : vector<16xi32>
      %add3A_432 = arith.addi %add3A_320, %get3A_418 : vector<16xi32>
      %get3A_433 = arith.constant 0 : i32
      %get3A_434 = arith.constant 8 : i32
      %get3A_435 = arith.index_cast %get3A_433 : i32 to index
      %get3A_436 = arith.index_cast %get3A_434 : i32 to index
      %get3A_437 = arith.index_cast %mul3A_212 : i32 to index
      %get3A_438 = tpu.vector_load %arg5[%get3A_435, %get3A_436, %get3A_437] {strides = array<i32>} : memref<2x16x512xf32, #tpu.memory_space<vmem>>, vector<1x1x16xf32>,
      %get3A_439 = vector.shape_cast %get3A_438 : vector<1x1x16xf32> to vector<16xf32>
      %get3A_440 = arith.constant 0 : i32
      %get3A_441 = arith.constant 8 : i32
      %get3A_442 = arith.index_cast %get3A_440 : i32 to index
      %get3A_443 = arith.index_cast %get3A_441 : i32 to index
      %get3A_444 = arith.index_cast %mul3A_212 : i32 to index
      %get3A_445 = tpu.vector_load %arg6[%get3A_442, %get3A_443, %get3A_444] {strides = array<i32>} : memref<2x16x512xi32, #tpu.memory_space<vmem>>, vector<1x1x16xi32>,
      %get3A_446 = vector.shape_cast %get3A_445 : vector<1x1x16xi32> to vector<16xi32>
      %gt3A_447 = arith.constant 0.000000e+00 : f32
      %gt3A_448 = vector.broadcast %gt3A_447 : f32 to vector<16xf32>
      %gt3A_449 = arith.cmpf ogt, %get3A_439, %gt3A_448 : vector<16xf32>
      %jit3A_450 = arith.constant 0 : i32
      %broadcast_in_dim3A_451 = vector.broadcast %jit3A_450 : i32 to vector<16xi32>
      %select_n3A_452 = arith.select %gt3A_449, %get3A_446, %broadcast_in_dim3A_451 : vector<16xi1>, vector<16xi32>
      %add3A_453 = arith.addi %add3A_341, %select_n3A_452 : vector<16xi32>
      %jit3A_454 = arith.constant 1 : i32
      %jit3A_455 = arith.constant 0 : i32
      %broadcast_in_dim3A_456 = vector.broadcast %jit3A_454 : i32 to vector<16xi32>
      %broadcast_in_dim3A_457 = vector.broadcast %jit3A_455 : i32 to vector<16xi32>
      %select_n3A_458 = arith.select %gt3A_449, %broadcast_in_dim3A_456, %broadcast_in_dim3A_457 : vector<16xi1>, vector<16xi32>
      %add3A_459 = arith.addi %add3A_347, %select_n3A_458 : vector<16xi32>
      %add3A_460 = arith.addi %add3A_348, %get3A_446 : vector<16xi32>
      %get3A_461 = arith.constant 0 : i32
      %get3A_462 = arith.constant 9 : i32
      %get3A_463 = arith.index_cast %get3A_461 : i32 to index
      %get3A_464 = arith.index_cast %get3A_462 : i32 to index
      %get3A_465 = arith.index_cast %mul3A_212 : i32 to index
      %get3A_466 = tpu.vector_load %arg5[%get3A_463, %get3A_464, %get3A_465] {strides = array<i32>} : memref<2x16x512xf32, #tpu.memory_space<vmem>>, vector<1x1x16xf32>,
      %get3A_467 = vector.shape_cast %get3A_466 : vector<1x1x16xf32> to vector<16xf32>
      %get3A_468 = arith.constant 0 : i32
      %get3A_469 = arith.constant 9 : i32
      %get3A_470 = arith.index_cast %get3A_468 : i32 to index
      %get3A_471 = arith.index_cast %get3A_469 : i32 to index
      %get3A_472 = arith.index_cast %mul3A_212 : i32 to index
      %get3A_473 = tpu.vector_load %arg6[%get3A_470, %get3A_471, %get3A_472] {strides = array<i32>} : memref<2x16x512xi32, #tpu.memory_space<vmem>>, vector<1x1x16xi32>,
      %get3A_474 = vector.shape_cast %get3A_473 : vector<1x1x16xi32> to vector<16xi32>
      %gt3A_475 = arith.constant 0.000000e+00 : f32
      %gt3A_476 = vector.broadcast %gt3A_475 : f32 to vector<16xf32>
      %gt3A_477 = arith.cmpf ogt, %get3A_467, %gt3A_476 : vector<16xf32>
      %jit3A_478 = arith.constant 0 : i32
      %broadcast_in_dim3A_479 = vector.broadcast %jit3A_478 : i32 to vector<16xi32>
      %select_n3A_480 = arith.select %gt3A_477, %get3A_474, %broadcast_in_dim3A_479 : vector<16xi1>, vector<16xi32>
      %add3A_481 = arith.addi %add3A_369, %select_n3A_480 : vector<16xi32>
      %jit3A_482 = arith.constant 1 : i32
      %jit3A_483 = arith.constant 0 : i32
      %broadcast_in_dim3A_484 = vector.broadcast %jit3A_482 : i32 to vector<16xi32>
      %broadcast_in_dim3A_485 = vector.broadcast %jit3A_483 : i32 to vector<16xi32>
      %select_n3A_486 = arith.select %gt3A_477, %broadcast_in_dim3A_484, %broadcast_in_dim3A_485 : vector<16xi1>, vector<16xi32>
      %add3A_487 = arith.addi %add3A_375, %select_n3A_486 : vector<16xi32>
      %add3A_488 = arith.addi %add3A_376, %get3A_474 : vector<16xi32>
      %get3A_489 = arith.constant 0 : i32
      %get3A_490 = arith.constant 10 : i32
      %get3A_491 = arith.index_cast %get3A_489 : i32 to index
      %get3A_492 = arith.index_cast %get3A_490 : i32 to index
      %get3A_493 = arith.index_cast %mul3A_212 : i32 to index
      %get3A_494 = tpu.vector_load %arg5[%get3A_491, %get3A_492, %get3A_493] {strides = array<i32>} : memref<2x16x512xf32, #tpu.memory_space<vmem>>, vector<1x1x16xf32>,
      %get3A_495 = vector.shape_cast %get3A_494 : vector<1x1x16xf32> to vector<16xf32>
      %get3A_496 = arith.constant 0 : i32
      %get3A_497 = arith.constant 10 : i32
      %get3A_498 = arith.index_cast %get3A_496 : i32 to index
      %get3A_499 = arith.index_cast %get3A_497 : i32 to index
      %get3A_500 = arith.index_cast %mul3A_212 : i32 to index
      %get3A_501 = tpu.vector_load %arg6[%get3A_498, %get3A_499, %get3A_500] {strides = array<i32>} : memref<2x16x512xi32, #tpu.memory_space<vmem>>, vector<1x1x16xi32>,
      %get3A_502 = vector.shape_cast %get3A_501 : vector<1x1x16xi32> to vector<16xi32>
      %gt3A_503 = arith.constant 0.000000e+00 : f32
      %gt3A_504 = vector.broadcast %gt3A_503 : f32 to vector<16xf32>
      %gt3A_505 = arith.cmpf ogt, %get3A_495, %gt3A_504 : vector<16xf32>
      %jit3A_506 = arith.constant 0 : i32
      %broadcast_in_dim3A_507 = vector.broadcast %jit3A_506 : i32 to vector<16xi32>
      %select_n3A_508 = arith.select %gt3A_505, %get3A_502, %broadcast_in_dim3A_507 : vector<16xi1>, vector<16xi32>
      %add3A_509 = arith.addi %add3A_397, %select_n3A_508 : vector<16xi32>
      %jit3A_510 = arith.constant 1 : i32
      %jit3A_511 = arith.constant 0 : i32
      %broadcast_in_dim3A_512 = vector.broadcast %jit3A_510 : i32 to vector<16xi32>
      %broadcast_in_dim3A_513 = vector.broadcast %jit3A_511 : i32 to vector<16xi32>
      %select_n3A_514 = arith.select %gt3A_505, %broadcast_in_dim3A_512, %broadcast_in_dim3A_513 : vector<16xi1>, vector<16xi32>
      %add3A_515 = arith.addi %add3A_403, %select_n3A_514 : vector<16xi32>
      %add3A_516 = arith.addi %add3A_404, %get3A_502 : vector<16xi32>
      %get3A_517 = arith.constant 0 : i32
      %get3A_518 = arith.constant 11 : i32
      %get3A_519 = arith.index_cast %get3A_517 : i32 to index
      %get3A_520 = arith.index_cast %get3A_518 : i32 to index
      %get3A_521 = arith.index_cast %mul3A_212 : i32 to index
      %get3A_522 = tpu.vector_load %arg5[%get3A_519, %get3A_520, %get3A_521] {strides = array<i32>} : memref<2x16x512xf32, #tpu.memory_space<vmem>>, vector<1x1x16xf32>,
      %get3A_523 = vector.shape_cast %get3A_522 : vector<1x1x16xf32> to vector<16xf32>
      %get3A_524 = arith.constant 0 : i32
      %get3A_525 = arith.constant 11 : i32
      %get3A_526 = arith.index_cast %get3A_524 : i32 to index
      %get3A_527 = arith.index_cast %get3A_525 : i32 to index
      %get3A_528 = arith.index_cast %mul3A_212 : i32 to index
      %get3A_529 = tpu.vector_load %arg6[%get3A_526, %get3A_527, %get3A_528] {strides = array<i32>} : memref<2x16x512xi32, #tpu.memory_space<vmem>>, vector<1x1x16xi32>,
      %get3A_530 = vector.shape_cast %get3A_529 : vector<1x1x16xi32> to vector<16xi32>
      %gt3A_531 = arith.constant 0.000000e+00 : f32
      %gt3A_532 = vector.broadcast %gt3A_531 : f32 to vector<16xf32>
      %gt3A_533 = arith.cmpf ogt, %get3A_523, %gt3A_532 : vector<16xf32>
      %jit3A_534 = arith.constant 0 : i32
      %broadcast_in_dim3A_535 = vector.broadcast %jit3A_534 : i32 to vector<16xi32>
      %select_n3A_536 = arith.select %gt3A_533, %get3A_530, %broadcast_in_dim3A_535 : vector<16xi1>, vector<16xi32>
      %add3A_537 = arith.addi %add3A_425, %select_n3A_536 : vector<16xi32>
      %jit3A_538 = arith.constant 1 : i32
      %jit3A_539 = arith.constant 0 : i32
      %broadcast_in_dim3A_540 = vector.broadcast %jit3A_538 : i32 to vector<16xi32>
      %broadcast_in_dim3A_541 = vector.broadcast %jit3A_539 : i32 to vector<16xi32>
      %select_n3A_542 = arith.select %gt3A_533, %broadcast_in_dim3A_540, %broadcast_in_dim3A_541 : vector<16xi1>, vector<16xi32>
      %add3A_543 = arith.addi %add3A_431, %select_n3A_542 : vector<16xi32>
      %add3A_544 = arith.addi %add3A_432, %get3A_530 : vector<16xi32>
      %get3A_545 = arith.constant 0 : i32
      %get3A_546 = arith.constant 12 : i32
      %get3A_547 = arith.index_cast %get3A_545 : i32 to index
      %get3A_548 = arith.index_cast %get3A_546 : i32 to index
      %get3A_549 = arith.index_cast %mul3A_212 : i32 to index
      %get3A_550 = tpu.vector_load %arg5[%get3A_547, %get3A_548, %get3A_549] {strides = array<i32>} : memref<2x16x512xf32, #tpu.memory_space<vmem>>, vector<1x1x16xf32>,
      %get3A_551 = vector.shape_cast %get3A_550 : vector<1x1x16xf32> to vector<16xf32>
      %get3A_552 = arith.constant 0 : i32
      %get3A_553 = arith.constant 12 : i32
      %get3A_554 = arith.index_cast %get3A_552 : i32 to index
      %get3A_555 = arith.index_cast %get3A_553 : i32 to index
      %get3A_556 = arith.index_cast %mul3A_212 : i32 to index
      %get3A_557 = tpu.vector_load %arg6[%get3A_554, %get3A_555, %get3A_556] {strides = array<i32>} : memref<2x16x512xi32, #tpu.memory_space<vmem>>, vector<1x1x16xi32>,
      %get3A_558 = vector.shape_cast %get3A_557 : vector<1x1x16xi32> to vector<16xi32>
      %gt3A_559 = arith.constant 0.000000e+00 : f32
      %gt3A_560 = vector.broadcast %gt3A_559 : f32 to vector<16xf32>
      %gt3A_561 = arith.cmpf ogt, %get3A_551, %gt3A_560 : vector<16xf32>
      %jit3A_562 = arith.constant 0 : i32
      %broadcast_in_dim3A_563 = vector.broadcast %jit3A_562 : i32 to vector<16xi32>
      %select_n3A_564 = arith.select %gt3A_561, %get3A_558, %broadcast_in_dim3A_563 : vector<16xi1>, vector<16xi32>
      %add3A_565 = arith.addi %add3A_453, %select_n3A_564 : vector<16xi32>
      %jit3A_566 = arith.constant 1 : i32
      %jit3A_567 = arith.constant 0 : i32
      %broadcast_in_dim3A_568 = vector.broadcast %jit3A_566 : i32 to vector<16xi32>
      %broadcast_in_dim3A_569 = vector.broadcast %jit3A_567 : i32 to vector<16xi32>
      %select_n3A_570 = arith.select %gt3A_561, %broadcast_in_dim3A_568, %broadcast_in_dim3A_569 : vector<16xi1>, vector<16xi32>
      %add3A_571 = arith.addi %add3A_459, %select_n3A_570 : vector<16xi32>
      %add3A_572 = arith.addi %add3A_460, %get3A_558 : vector<16xi32>
      %get3A_573 = arith.constant 0 : i32
      %get3A_574 = arith.constant 13 : i32
      %get3A_575 = arith.index_cast %get3A_573 : i32 to index
      %get3A_576 = arith.index_cast %get3A_574 : i32 to index
      %get3A_577 = arith.index_cast %mul3A_212 : i32 to index
      %get3A_578 = tpu.vector_load %arg5[%get3A_575, %get3A_576, %get3A_577] {strides = array<i32>} : memref<2x16x512xf32, #tpu.memory_space<vmem>>, vector<1x1x16xf32>,
      %get3A_579 = vector.shape_cast %get3A_578 : vector<1x1x16xf32> to vector<16xf32>
      %get3A_580 = arith.constant 0 : i32
      %get3A_581 = arith.constant 13 : i32
      %get3A_582 = arith.index_cast %get3A_580 : i32 to index
      %get3A_583 = arith.index_cast %get3A_581 : i32 to index
      %get3A_584 = arith.index_cast %mul3A_212 : i32 to index
      %get3A_585 = tpu.vector_load %arg6[%get3A_582, %get3A_583, %get3A_584] {strides = array<i32>} : memref<2x16x512xi32, #tpu.memory_space<vmem>>, vector<1x1x16xi32>,
      %get3A_586 = vector.shape_cast %get3A_585 : vector<1x1x16xi32> to vector<16xi32>
      %gt3A_587 = arith.constant 0.000000e+00 : f32
      %gt3A_588 = vector.broadcast %gt3A_587 : f32 to vector<16xf32>
      %gt3A_589 = arith.cmpf ogt, %get3A_579, %gt3A_588 : vector<16xf32>
      %jit3A_590 = arith.constant 0 : i32
      %broadcast_in_dim3A_591 = vector.broadcast %jit3A_590 : i32 to vector<16xi32>
      %select_n3A_592 = arith.select %gt3A_589, %get3A_586, %broadcast_in_dim3A_591 : vector<16xi1>, vector<16xi32>
      %add3A_593 = arith.addi %add3A_481, %select_n3A_592 : vector<16xi32>
      %jit3A_594 = arith.constant 1 : i32
      %jit3A_595 = arith.constant 0 : i32
      %broadcast_in_dim3A_596 = vector.broadcast %jit3A_594 : i32 to vector<16xi32>
      %broadcast_in_dim3A_597 = vector.broadcast %jit3A_595 : i32 to vector<16xi32>
      %select_n3A_598 = arith.select %gt3A_589, %broadcast_in_dim3A_596, %broadcast_in_dim3A_597 : vector<16xi1>, vector<16xi32>
      %add3A_599 = arith.addi %add3A_487, %select_n3A_598 : vector<16xi32>
      %add3A_600 = arith.addi %add3A_488, %get3A_586 : vector<16xi32>
      %get3A_601 = arith.constant 0 : i32
      %get3A_602 = arith.constant 14 : i32
      %get3A_603 = arith.index_cast %get3A_601 : i32 to index
      %get3A_604 = arith.index_cast %get3A_602 : i32 to index
      %get3A_605 = arith.index_cast %mul3A_212 : i32 to index
      %get3A_606 = tpu.vector_load %arg5[%get3A_603, %get3A_604, %get3A_605] {strides = array<i32>} : memref<2x16x512xf32, #tpu.memory_space<vmem>>, vector<1x1x16xf32>,
      %get3A_607 = vector.shape_cast %get3A_606 : vector<1x1x16xf32> to vector<16xf32>
      %get3A_608 = arith.constant 0 : i32
      %get3A_609 = arith.constant 14 : i32
      %get3A_610 = arith.index_cast %get3A_608 : i32 to index
      %get3A_611 = arith.index_cast %get3A_609 : i32 to index
      %get3A_612 = arith.index_cast %mul3A_212 : i32 to index
      %get3A_613 = tpu.vector_load %arg6[%get3A_610, %get3A_611, %get3A_612] {strides = array<i32>} : memref<2x16x512xi32, #tpu.memory_space<vmem>>, vector<1x1x16xi32>,
      %get3A_614 = vector.shape_cast %get3A_613 : vector<1x1x16xi32> to vector<16xi32>
      %gt3A_615 = arith.constant 0.000000e+00 : f32
      %gt3A_616 = vector.broadcast %gt3A_615 : f32 to vector<16xf32>
      %gt3A_617 = arith.cmpf ogt, %get3A_607, %gt3A_616 : vector<16xf32>
      %jit3A_618 = arith.constant 0 : i32
      %broadcast_in_dim3A_619 = vector.broadcast %jit3A_618 : i32 to vector<16xi32>
      %select_n3A_620 = arith.select %gt3A_617, %get3A_614, %broadcast_in_dim3A_619 : vector<16xi1>, vector<16xi32>
      %add3A_621 = arith.addi %add3A_509, %select_n3A_620 : vector<16xi32>
      %jit3A_622 = arith.constant 1 : i32
      %jit3A_623 = arith.constant 0 : i32
      %broadcast_in_dim3A_624 = vector.broadcast %jit3A_622 : i32 to vector<16xi32>
      %broadcast_in_dim3A_625 = vector.broadcast %jit3A_623 : i32 to vector<16xi32>
      %select_n3A_626 = arith.select %gt3A_617, %broadcast_in_dim3A_624, %broadcast_in_dim3A_625 : vector<16xi1>, vector<16xi32>
      %add3A_627 = arith.addi %add3A_515, %select_n3A_626 : vector<16xi32>
      %add3A_628 = arith.addi %add3A_516, %get3A_614 : vector<16xi32>
      %get3A_629 = arith.constant 0 : i32
      %get3A_630 = arith.constant 15 : i32
      %get3A_631 = arith.index_cast %get3A_629 : i32 to index
      %get3A_632 = arith.index_cast %get3A_630 : i32 to index
      %get3A_633 = arith.index_cast %mul3A_212 : i32 to index
      %get3A_634 = tpu.vector_load %arg5[%get3A_631, %get3A_632, %get3A_633] {strides = array<i32>} : memref<2x16x512xf32, #tpu.memory_space<vmem>>, vector<1x1x16xf32>,
      %get3A_635 = vector.shape_cast %get3A_634 : vector<1x1x16xf32> to vector<16xf32>
      %get3A_636 = arith.constant 0 : i32
      %get3A_637 = arith.constant 15 : i32
      %get3A_638 = arith.index_cast %get3A_636 : i32 to index
      %get3A_639 = arith.index_cast %get3A_637 : i32 to index
      %get3A_640 = arith.index_cast %mul3A_212 : i32 to index
      %get3A_641 = tpu.vector_load %arg6[%get3A_638, %get3A_639, %get3A_640] {strides = array<i32>} : memref<2x16x512xi32, #tpu.memory_space<vmem>>, vector<1x1x16xi32>,
      %get3A_642 = vector.shape_cast %get3A_641 : vector<1x1x16xi32> to vector<16xi32>
      %gt3A_643 = arith.constant 0.000000e+00 : f32
      %gt3A_644 = vector.broadcast %gt3A_643 : f32 to vector<16xf32>
      %gt3A_645 = arith.cmpf ogt, %get3A_635, %gt3A_644 : vector<16xf32>
      %jit3A_646 = arith.constant 0 : i32
      %broadcast_in_dim3A_647 = vector.broadcast %jit3A_646 : i32 to vector<16xi32>
      %select_n3A_648 = arith.select %gt3A_645, %get3A_642, %broadcast_in_dim3A_647 : vector<16xi1>, vector<16xi32>
      %add3A_649 = arith.addi %add3A_537, %select_n3A_648 : vector<16xi32>
      %jit3A_650 = arith.constant 1 : i32
      %jit3A_651 = arith.constant 0 : i32
      %broadcast_in_dim3A_652 = vector.broadcast %jit3A_650 : i32 to vector<16xi32>
      %broadcast_in_dim3A_653 = vector.broadcast %jit3A_651 : i32 to vector<16xi32>
      %select_n3A_654 = arith.select %gt3A_645, %broadcast_in_dim3A_652, %broadcast_in_dim3A_653 : vector<16xi1>, vector<16xi32>
      %add3A_655 = arith.addi %add3A_543, %select_n3A_654 : vector<16xi32>
      %add3A_656 = arith.addi %add3A_544, %get3A_642 : vector<16xi32>
      scf.yield %add3A_565, %add3A_593, %add3A_621, %add3A_649, %add3A_571, %add3A_599, %add3A_627, %add3A_655, %add3A_572, %add3A_600, %add3A_628, %add3A_656 : vector<16xi32>, vector<16xi32>, vector<16xi32>, vector<16xi32>, vector<16xi32>, vector<16xi32>, vector<16xi32>, vector<16xi32>, vector<16xi32>, vector<16xi32>, vector<16xi32>, vector<16xi32>
    }
    %scan3A_105 = arith.constant 32 : i32
    %add3A_106 = arith.addi %scan3A_104#0, %scan3A_104#1 : vector<16xi32>
    %add3A_107 = arith.addi %scan3A_104#2, %scan3A_104#3 : vector<16xi32>
    %add3A_108 = arith.addi %add3A_106, %add3A_107 : vector<16xi32>
    %swap3A = arith.constant 0 : i32
    %swap3A_109 = arith.index_cast %swap3A : i32 to index
    %swap3A_110 = arith.constant 0 : index
    %swap3A_111 = tpu.vector_load %arg7[%swap3A_109, %swap3A_110] {strides = array<i32>} : memref<6x16xi32, #tpu.memory_space<vmem>>, vector<1x16xi32>,
    %swap3A_112 = vector.shape_cast %swap3A_111 : vector<1x16xi32> to vector<16xi32>
    %swap3A_113 = vector.shape_cast %add3A_108 : vector<16xi32> to vector<1x16xi32>
    tpu.vector_store %arg7[%swap3A_109, %swap3A_110], %swap3A_113 {strides = array<i32>} : memref<6x16xi32, #tpu.memory_space<vmem>>, vector<1x16xi32>,
    %add3A_114 = arith.addi %scan3A_104#4, %scan3A_104#5 : vector<16xi32>
    %add3A_115 = arith.addi %scan3A_104#6, %scan3A_104#7 : vector<16xi32>
    %add3A_116 = arith.addi %add3A_114, %add3A_115 : vector<16xi32>
    %swap3A_117 = arith.constant 2 : i32
    %swap3A_118 = arith.index_cast %swap3A_117 : i32 to index
    %swap3A_119 = arith.constant 0 : index
    %swap3A_120 = tpu.vector_load %arg7[%swap3A_118, %swap3A_119] {strides = array<i32>} : memref<6x16xi32, #tpu.memory_space<vmem>>, vector<1x16xi32>,
    %swap3A_121 = vector.shape_cast %swap3A_120 : vector<1x16xi32> to vector<16xi32>
    %swap3A_122 = vector.shape_cast %add3A_116 : vector<16xi32> to vector<1x16xi32>
    tpu.vector_store %arg7[%swap3A_118, %swap3A_119], %swap3A_122 {strides = array<i32>} : memref<6x16xi32, #tpu.memory_space<vmem>>, vector<1x16xi32>,
    %add3A_123 = arith.addi %scan3A_104#8, %scan3A_104#9 : vector<16xi32>
    %add3A_124 = arith.addi %scan3A_104#10, %scan3A_104#11 : vector<16xi32>
    %add3A_125 = arith.addi %add3A_123, %add3A_124 : vector<16xi32>
    %swap3A_126 = arith.constant 4 : i32
    %swap3A_127 = arith.index_cast %swap3A_126 : i32 to index
    %swap3A_128 = arith.constant 0 : index
    %swap3A_129 = tpu.vector_load %arg7[%swap3A_127, %swap3A_128] {strides = array<i32>} : memref<6x16xi32, #tpu.memory_space<vmem>>, vector<1x16xi32>,
    %swap3A_130 = vector.shape_cast %swap3A_129 : vector<1x16xi32> to vector<16xi32>
    %swap3A_131 = vector.shape_cast %add3A_125 : vector<16xi32> to vector<1x16xi32>
    tpu.vector_store %arg7[%swap3A_127, %swap3A_128], %swap3A_131 {strides = array<i32>} : memref<6x16xi32, #tpu.memory_space<vmem>>, vector<1x16xi32>,
    %dma_wait3A_132 = arith.constant 1 : i32
    %dma_wait3A_133 = arith.constant 0 : i32
    %dma_wait3A_134 = arith.constant 1 : i32
    %dma_wait3A_135 = arith.constant 0 : i32
    %dma_wait3A_136 = arith.constant 0 : i32
    %dma_wait3A_137 = tpu.memref_slice %arg5[%dma_wait3A_134, %dma_wait3A_135, %dma_wait3A_136] : memref<2x16x512xf32, #tpu.memory_space<vmem>> -> memref<1x16x512xf32, #tpu.memory_space<vmem>>
    %dma_wait3A_138 = tpu.memref_squeeze %dma_wait3A_137 : memref<1x16x512xf32, #tpu.memory_space<vmem>> -> memref<16x512xf32, #tpu.memory_space<vmem>>
    %dma_wait3A_139 = arith.constant 0 : i32
    %dma_wait3A_140 = tpu.memref_slice %arg2[%dma_wait3A_132, %dma_wait3A_133, %mul3A_2, %dma_wait3A_139] : memref<8x1x512x512xf32, #tpu.memory_space<hbm>> -> memref<1x1x16x512xf32, #tpu.memory_space<hbm>>
    %dma_wait3A_141 = tpu.memref_squeeze %dma_wait3A_140 : memref<1x1x16x512xf32, #tpu.memory_space<hbm>> -> memref<16x512xf32, #tpu.memory_space<hbm>>
    %dma_wait3A_142 = arith.constant 0 : i32
    %dma_wait3A_143 = arith.constant 0 : i32
    %dma_wait3A_144 = tpu.memref_slice %arg5[%dma_wait3A_134, %dma_wait3A_142, %dma_wait3A_143] : memref<2x16x512xf32, #tpu.memory_space<vmem>> -> memref<1x16x512xf32, #tpu.memory_space<vmem>>
    %dma_wait3A_145 = tpu.memref_squeeze %dma_wait3A_144 : memref<1x16x512xf32, #tpu.memory_space<vmem>> -> memref<16x512xf32, #tpu.memory_space<vmem>>
    %dma_wait3A_146 = arith.constant 0 : i32
    %dma_wait3A_147 = tpu.memref_slice %arg2[%dma_wait3A_132, %dma_wait3A_133, %mul3A_2, %dma_wait3A_146] : memref<8x1x512x512xf32, #tpu.memory_space<hbm>> -> memref<1x1x16x512xf32, #tpu.memory_space<hbm>>
    %dma_wait3A_148 = tpu.memref_squeeze %dma_wait3A_147 : memref<1x1x16x512xf32, #tpu.memory_space<hbm>> -> memref<16x512xf32, #tpu.memory_space<hbm>>
    tpu.wait_dma2 semaphore(%arg9 : memref<!tpu.dma_semaphore, #tpu.memory_space<semaphore_mem>>) src(%dma_wait3A_148 : memref<16x512xf32, #tpu.memory_space<hbm>>) dst(%dma_wait3A_145 : memref<16x512xf32, #tpu.memory_space<vmem>>)
    %dma_wait3A_149 = arith.constant 1 : i32
    %dma_wait3A_150 = arith.constant 1 : i32
    %dma_wait3A_151 = arith.constant 0 : i32
    %dma_wait3A_152 = arith.constant 0 : i32
    %dma_wait3A_153 = tpu.memref_slice %arg6[%dma_wait3A_150, %dma_wait3A_151, %dma_wait3A_152] : memref<2x16x512xi32, #tpu.memory_space<vmem>> -> memref<1x16x512xi32, #tpu.memory_space<vmem>>
    %dma_wait3A_154 = tpu.memref_squeeze %dma_wait3A_153 : memref<1x16x512xi32, #tpu.memory_space<vmem>> -> memref<16x512xi32, #tpu.memory_space<vmem>>
    %dma_wait3A_155 = arith.constant 0 : i32
    %dma_wait3A_156 = tpu.memref_slice %arg3[%dma_wait3A_149, %mul3A_2, %dma_wait3A_155] : memref<8x512x512xi32, #tpu.memory_space<hbm>> -> memref<1x16x512xi32, #tpu.memory_space<hbm>>
    %dma_wait3A_157 = tpu.memref_squeeze %dma_wait3A_156 : memref<1x16x512xi32, #tpu.memory_space<hbm>> -> memref<16x512xi32, #tpu.memory_space<hbm>>
    %dma_wait3A_158 = arith.constant 0 : i32
    %dma_wait3A_159 = arith.constant 0 : i32
    %dma_wait3A_160 = tpu.memref_slice %arg6[%dma_wait3A_150, %dma_wait3A_158, %dma_wait3A_159] : memref<2x16x512xi32, #tpu.memory_space<vmem>> -> memref<1x16x512xi32, #tpu.memory_space<vmem>>
    %dma_wait3A_161 = tpu.memref_squeeze %dma_wait3A_160 : memref<1x16x512xi32, #tpu.memory_space<vmem>> -> memref<16x512xi32, #tpu.memory_space<vmem>>
    %dma_wait3A_162 = arith.constant 0 : i32
    %dma_wait3A_163 = tpu.memref_slice %arg3[%dma_wait3A_149, %mul3A_2, %dma_wait3A_162] : memref<8x512x512xi32, #tpu.memory_space<hbm>> -> memref<1x16x512xi32, #tpu.memory_space<hbm>>
    %dma_wait3A_164 = tpu.memref_squeeze %dma_wait3A_163 : memref<1x16x512xi32, #tpu.memory_space<hbm>> -> memref<16x512xi32, #tpu.memory_space<hbm>>
    tpu.wait_dma2 semaphore(%arg11 : memref<!tpu.dma_semaphore, #tpu.memory_space<semaphore_mem>>) src(%dma_wait3A_164 : memref<16x512xi32, #tpu.memory_space<hbm>>) dst(%dma_wait3A_161 : memref<16x512xi32, #tpu.memory_space<vmem>>)
    %scan3A_165 = arith.constant 0 : i32
    %scan3A_166 = arith.constant 32 : i32
    %scan3A_167 = arith.addi %scan3A_165, %scan3A_166 : i32
    %scan3A_168 = arith.constant 1 : i32
    %scan3A_169:12 = scf.for %scan3A_198 = %scan3A_165 to %scan3A_167 step %scan3A_168 iter_args(%scan3A_199 = %broadcast_in_dim3A_68, %scan3A_200 = %broadcast_in_dim3A_68, %scan3A_201 = %broadcast_in_dim3A_68, %scan3A_202 = %broadcast_in_dim3A_68, %scan3A_203 = %broadcast_in_dim3A_68, %scan3A_204 = %broadcast_in_dim3A_68, %scan3A_205 = %broadcast_in_dim3A_68, %scan3A_206 = %broadcast_in_dim3A_68, %scan3A_207 = %broadcast_in_dim3A_68, %scan3A_208 = %broadcast_in_dim3A_68, %scan3A_209 = %broadcast_in_dim3A_68, %scan3A_210 = %broadcast_in_dim3A_68) -> (vector<16xi32>, vector<16xi32>, vector<16xi32>, vector<16xi32>, vector<16xi32>, vector<16xi32>, vector<16xi32>, vector<16xi32>, vector<16xi32>, vector<16xi32>, vector<16xi32>, vector<16xi32>)  : i32 {
      %mul3A_211 = arith.constant 16 : i32
      %mul3A_212 = arith.muli %scan3A_198, %mul3A_211 : i32
      %get3A = arith.constant 1 : i32
      %get3A_213 = arith.constant 0 : i32
      %get3A_214 = arith.index_cast %get3A : i32 to index
      %get3A_215 = arith.index_cast %get3A_213 : i32 to index
      %get3A_216 = arith.index_cast %mul3A_212 : i32 to index
      %get3A_217 = tpu.vector_load %arg5[%get3A_214, %get3A_215, %get3A_216] {strides = array<i32>} : memref<2x16x512xf32, #tpu.memory_space<vmem>>, vector<1x1x16xf32>,
      %get3A_218 = vector.shape_cast %get3A_217 : vector<1x1x16xf32> to vector<16xf32>
      %get3A_219 = arith.constant 1 : i32
      %get3A_220 = arith.constant 0 : i32
      %get3A_221 = arith.index_cast %get3A_219 : i32 to index
      %get3A_222 = arith.index_cast %get3A_220 : i32 to index
      %get3A_223 = arith.index_cast %mul3A_212 : i32 to index
      %get3A_224 = tpu.vector_load %arg6[%get3A_221, %get3A_222, %get3A_223] {strides = array<i32>} : memref<2x16x512xi32, #tpu.memory_space<vmem>>, vector<1x1x16xi32>,
      %get3A_225 = vector.shape_cast %get3A_224 : vector<1x1x16xi32> to vector<16xi32>
      %gt3A = arith.constant 0.000000e+00 : f32
      %gt3A_226 = vector.broadcast %gt3A : f32 to vector<16xf32>
      %gt3A_227 = arith.cmpf ogt, %get3A_218, %gt3A_226 : vector<16xf32>
      %jit3A = arith.constant 0 : i32
      %broadcast_in_dim3A_228 = vector.broadcast %jit3A : i32 to vector<16xi32>
      %select_n3A = arith.select %gt3A_227, %get3A_225, %broadcast_in_dim3A_228 : vector<16xi1>, vector<16xi32>
      %add3A_229 = arith.addi %scan3A_199, %select_n3A : vector<16xi32>
      %jit3A_230 = arith.constant 1 : i32
      %jit3A_231 = arith.constant 0 : i32
      %broadcast_in_dim3A_232 = vector.broadcast %jit3A_230 : i32 to vector<16xi32>
      %broadcast_in_dim3A_233 = vector.broadcast %jit3A_231 : i32 to vector<16xi32>
      %select_n3A_234 = arith.select %gt3A_227, %broadcast_in_dim3A_232, %broadcast_in_dim3A_233 : vector<16xi1>, vector<16xi32>
      %add3A_235 = arith.addi %scan3A_203, %select_n3A_234 : vector<16xi32>
      %add3A_236 = arith.addi %scan3A_207, %get3A_225 : vector<16xi32>
      %get3A_237 = arith.constant 1 : i32
      %get3A_238 = arith.constant 1 : i32
      %get3A_239 = arith.index_cast %get3A_237 : i32 to index
      %get3A_240 = arith.index_cast %get3A_238 : i32 to index
      %get3A_241 = arith.index_cast %mul3A_212 : i32 to index
      %get3A_242 = tpu.vector_load %arg5[%get3A_239, %get3A_240, %get3A_241] {strides = array<i32>} : memref<2x16x512xf32, #tpu.memory_space<vmem>>, vector<1x1x16xf32>,
      %get3A_243 = vector.shape_cast %get3A_242 : vector<1x1x16xf32> to vector<16xf32>
      %get3A_244 = arith.constant 1 : i32
      %get3A_245 = arith.constant 1 : i32
      %get3A_246 = arith.index_cast %get3A_244 : i32 to index
      %get3A_247 = arith.index_cast %get3A_245 : i32 to index
      %get3A_248 = arith.index_cast %mul3A_212 : i32 to index
      %get3A_249 = tpu.vector_load %arg6[%get3A_246, %get3A_247, %get3A_248] {strides = array<i32>} : memref<2x16x512xi32, #tpu.memory_space<vmem>>, vector<1x1x16xi32>,
      %get3A_250 = vector.shape_cast %get3A_249 : vector<1x1x16xi32> to vector<16xi32>
      %gt3A_251 = arith.constant 0.000000e+00 : f32
      %gt3A_252 = vector.broadcast %gt3A_251 : f32 to vector<16xf32>
      %gt3A_253 = arith.cmpf ogt, %get3A_243, %gt3A_252 : vector<16xf32>
      %jit3A_254 = arith.constant 0 : i32
      %broadcast_in_dim3A_255 = vector.broadcast %jit3A_254 : i32 to vector<16xi32>
      %select_n3A_256 = arith.select %gt3A_253, %get3A_250, %broadcast_in_dim3A_255 : vector<16xi1>, vector<16xi32>
      %add3A_257 = arith.addi %scan3A_200, %select_n3A_256 : vector<16xi32>
      %jit3A_258 = arith.constant 1 : i32
      %jit3A_259 = arith.constant 0 : i32
      %broadcast_in_dim3A_260 = vector.broadcast %jit3A_258 : i32 to vector<16xi32>
      %broadcast_in_dim3A_261 = vector.broadcast %jit3A_259 : i32 to vector<16xi32>
      %select_n3A_262 = arith.select %gt3A_253, %broadcast_in_dim3A_260, %broadcast_in_dim3A_261 : vector<16xi1>, vector<16xi32>
      %add3A_263 = arith.addi %scan3A_204, %select_n3A_262 : vector<16xi32>
      %add3A_264 = arith.addi %scan3A_208, %get3A_250 : vector<16xi32>
      %get3A_265 = arith.constant 1 : i32
      %get3A_266 = arith.constant 2 : i32
      %get3A_267 = arith.index_cast %get3A_265 : i32 to index
      %get3A_268 = arith.index_cast %get3A_266 : i32 to index
      %get3A_269 = arith.index_cast %mul3A_212 : i32 to index
      %get3A_270 = tpu.vector_load %arg5[%get3A_267, %get3A_268, %get3A_269] {strides = array<i32>} : memref<2x16x512xf32, #tpu.memory_space<vmem>>, vector<1x1x16xf32>,
      %get3A_271 = vector.shape_cast %get3A_270 : vector<1x1x16xf32> to vector<16xf32>
      %get3A_272 = arith.constant 1 : i32
      %get3A_273 = arith.constant 2 : i32
      %get3A_274 = arith.index_cast %get3A_272 : i32 to index
      %get3A_275 = arith.index_cast %get3A_273 : i32 to index
      %get3A_276 = arith.index_cast %mul3A_212 : i32 to index
      %get3A_277 = tpu.vector_load %arg6[%get3A_274, %get3A_275, %get3A_276] {strides = array<i32>} : memref<2x16x512xi32, #tpu.memory_space<vmem>>, vector<1x1x16xi32>,
      %get3A_278 = vector.shape_cast %get3A_277 : vector<1x1x16xi32> to vector<16xi32>
      %gt3A_279 = arith.constant 0.000000e+00 : f32
      %gt3A_280 = vector.broadcast %gt3A_279 : f32 to vector<16xf32>
      %gt3A_281 = arith.cmpf ogt, %get3A_271, %gt3A_280 : vector<16xf32>
      %jit3A_282 = arith.constant 0 : i32
      %broadcast_in_dim3A_283 = vector.broadcast %jit3A_282 : i32 to vector<16xi32>
      %select_n3A_284 = arith.select %gt3A_281, %get3A_278, %broadcast_in_dim3A_283 : vector<16xi1>, vector<16xi32>
      %add3A_285 = arith.addi %scan3A_201, %select_n3A_284 : vector<16xi32>
      %jit3A_286 = arith.constant 1 : i32
      %jit3A_287 = arith.constant 0 : i32
      %broadcast_in_dim3A_288 = vector.broadcast %jit3A_286 : i32 to vector<16xi32>
      %broadcast_in_dim3A_289 = vector.broadcast %jit3A_287 : i32 to vector<16xi32>
      %select_n3A_290 = arith.select %gt3A_281, %broadcast_in_dim3A_288, %broadcast_in_dim3A_289 : vector<16xi1>, vector<16xi32>
      %add3A_291 = arith.addi %scan3A_205, %select_n3A_290 : vector<16xi32>
      %add3A_292 = arith.addi %scan3A_209, %get3A_278 : vector<16xi32>
      %get3A_293 = arith.constant 1 : i32
      %get3A_294 = arith.constant 3 : i32
      %get3A_295 = arith.index_cast %get3A_293 : i32 to index
      %get3A_296 = arith.index_cast %get3A_294 : i32 to index
      %get3A_297 = arith.index_cast %mul3A_212 : i32 to index
      %get3A_298 = tpu.vector_load %arg5[%get3A_295, %get3A_296, %get3A_297] {strides = array<i32>} : memref<2x16x512xf32, #tpu.memory_space<vmem>>, vector<1x1x16xf32>,
      %get3A_299 = vector.shape_cast %get3A_298 : vector<1x1x16xf32> to vector<16xf32>
      %get3A_300 = arith.constant 1 : i32
      %get3A_301 = arith.constant 3 : i32
      %get3A_302 = arith.index_cast %get3A_300 : i32 to index
      %get3A_303 = arith.index_cast %get3A_301 : i32 to index
      %get3A_304 = arith.index_cast %mul3A_212 : i32 to index
      %get3A_305 = tpu.vector_load %arg6[%get3A_302, %get3A_303, %get3A_304] {strides = array<i32>} : memref<2x16x512xi32, #tpu.memory_space<vmem>>, vector<1x1x16xi32>,
      %get3A_306 = vector.shape_cast %get3A_305 : vector<1x1x16xi32> to vector<16xi32>
      %gt3A_307 = arith.constant 0.000000e+00 : f32
      %gt3A_308 = vector.broadcast %gt3A_307 : f32 to vector<16xf32>
      %gt3A_309 = arith.cmpf ogt, %get3A_299, %gt3A_308 : vector<16xf32>
      %jit3A_310 = arith.constant 0 : i32
      %broadcast_in_dim3A_311 = vector.broadcast %jit3A_310 : i32 to vector<16xi32>
      %select_n3A_312 = arith.select %gt3A_309, %get3A_306, %broadcast_in_dim3A_311 : vector<16xi1>, vector<16xi32>
      %add3A_313 = arith.addi %scan3A_202, %select_n3A_312 : vector<16xi32>
      %jit3A_314 = arith.constant 1 : i32
      %jit3A_315 = arith.constant 0 : i32
      %broadcast_in_dim3A_316 = vector.broadcast %jit3A_314 : i32 to vector<16xi32>
      %broadcast_in_dim3A_317 = vector.broadcast %jit3A_315 : i32 to vector<16xi32>
      %select_n3A_318 = arith.select %gt3A_309, %broadcast_in_dim3A_316, %broadcast_in_dim3A_317 : vector<16xi1>, vector<16xi32>
      %add3A_319 = arith.addi %scan3A_206, %select_n3A_318 : vector<16xi32>
      %add3A_320 = arith.addi %scan3A_210, %get3A_306 : vector<16xi32>
      %get3A_321 = arith.constant 1 : i32
      %get3A_322 = arith.constant 4 : i32
      %get3A_323 = arith.index_cast %get3A_321 : i32 to index
      %get3A_324 = arith.index_cast %get3A_322 : i32 to index
      %get3A_325 = arith.index_cast %mul3A_212 : i32 to index
      %get3A_326 = tpu.vector_load %arg5[%get3A_323, %get3A_324, %get3A_325] {strides = array<i32>} : memref<2x16x512xf32, #tpu.memory_space<vmem>>, vector<1x1x16xf32>,
      %get3A_327 = vector.shape_cast %get3A_326 : vector<1x1x16xf32> to vector<16xf32>
      %get3A_328 = arith.constant 1 : i32
      %get3A_329 = arith.constant 4 : i32
      %get3A_330 = arith.index_cast %get3A_328 : i32 to index
      %get3A_331 = arith.index_cast %get3A_329 : i32 to index
      %get3A_332 = arith.index_cast %mul3A_212 : i32 to index
      %get3A_333 = tpu.vector_load %arg6[%get3A_330, %get3A_331, %get3A_332] {strides = array<i32>} : memref<2x16x512xi32, #tpu.memory_space<vmem>>, vector<1x1x16xi32>,
      %get3A_334 = vector.shape_cast %get3A_333 : vector<1x1x16xi32> to vector<16xi32>
      %gt3A_335 = arith.constant 0.000000e+00 : f32
      %gt3A_336 = vector.broadcast %gt3A_335 : f32 to vector<16xf32>
      %gt3A_337 = arith.cmpf ogt, %get3A_327, %gt3A_336 : vector<16xf32>
      %jit3A_338 = arith.constant 0 : i32
      %broadcast_in_dim3A_339 = vector.broadcast %jit3A_338 : i32 to vector<16xi32>
      %select_n3A_340 = arith.select %gt3A_337, %get3A_334, %broadcast_in_dim3A_339 : vector<16xi1>, vector<16xi32>
      %add3A_341 = arith.addi %add3A_229, %select_n3A_340 : vector<16xi32>
      %jit3A_342 = arith.constant 1 : i32
      %jit3A_343 = arith.constant 0 : i32
      %broadcast_in_dim3A_344 = vector.broadcast %jit3A_342 : i32 to vector<16xi32>
      %broadcast_in_dim3A_345 = vector.broadcast %jit3A_343 : i32 to vector<16xi32>
      %select_n3A_346 = arith.select %gt3A_337, %broadcast_in_dim3A_344, %broadcast_in_dim3A_345 : vector<16xi1>, vector<16xi32>
      %add3A_347 = arith.addi %add3A_235, %select_n3A_346 : vector<16xi32>
      %add3A_348 = arith.addi %add3A_236, %get3A_334 : vector<16xi32>
      %get3A_349 = arith.constant 1 : i32
      %get3A_350 = arith.constant 5 : i32
      %get3A_351 = arith.index_cast %get3A_349 : i32 to index
      %get3A_352 = arith.index_cast %get3A_350 : i32 to index
      %get3A_353 = arith.index_cast %mul3A_212 : i32 to index
      %get3A_354 = tpu.vector_load %arg5[%get3A_351, %get3A_352, %get3A_353] {strides = array<i32>} : memref<2x16x512xf32, #tpu.memory_space<vmem>>, vector<1x1x16xf32>,
      %get3A_355 = vector.shape_cast %get3A_354 : vector<1x1x16xf32> to vector<16xf32>
      %get3A_356 = arith.constant 1 : i32
      %get3A_357 = arith.constant 5 : i32
      %get3A_358 = arith.index_cast %get3A_356 : i32 to index
      %get3A_359 = arith.index_cast %get3A_357 : i32 to index
      %get3A_360 = arith.index_cast %mul3A_212 : i32 to index
      %get3A_361 = tpu.vector_load %arg6[%get3A_358, %get3A_359, %get3A_360] {strides = array<i32>} : memref<2x16x512xi32, #tpu.memory_space<vmem>>, vector<1x1x16xi32>,
      %get3A_362 = vector.shape_cast %get3A_361 : vector<1x1x16xi32> to vector<16xi32>
      %gt3A_363 = arith.constant 0.000000e+00 : f32
      %gt3A_364 = vector.broadcast %gt3A_363 : f32 to vector<16xf32>
      %gt3A_365 = arith.cmpf ogt, %get3A_355, %gt3A_364 : vector<16xf32>
      %jit3A_366 = arith.constant 0 : i32
      %broadcast_in_dim3A_367 = vector.broadcast %jit3A_366 : i32 to vector<16xi32>
      %select_n3A_368 = arith.select %gt3A_365, %get3A_362, %broadcast_in_dim3A_367 : vector<16xi1>, vector<16xi32>
      %add3A_369 = arith.addi %add3A_257, %select_n3A_368 : vector<16xi32>
      %jit3A_370 = arith.constant 1 : i32
      %jit3A_371 = arith.constant 0 : i32
      %broadcast_in_dim3A_372 = vector.broadcast %jit3A_370 : i32 to vector<16xi32>
      %broadcast_in_dim3A_373 = vector.broadcast %jit3A_371 : i32 to vector<16xi32>
      %select_n3A_374 = arith.select %gt3A_365, %broadcast_in_dim3A_372, %broadcast_in_dim3A_373 : vector<16xi1>, vector<16xi32>
      %add3A_375 = arith.addi %add3A_263, %select_n3A_374 : vector<16xi32>
      %add3A_376 = arith.addi %add3A_264, %get3A_362 : vector<16xi32>
      %get3A_377 = arith.constant 1 : i32
      %get3A_378 = arith.constant 6 : i32
      %get3A_379 = arith.index_cast %get3A_377 : i32 to index
      %get3A_380 = arith.index_cast %get3A_378 : i32 to index
      %get3A_381 = arith.index_cast %mul3A_212 : i32 to index
      %get3A_382 = tpu.vector_load %arg5[%get3A_379, %get3A_380, %get3A_381] {strides = array<i32>} : memref<2x16x512xf32, #tpu.memory_space<vmem>>, vector<1x1x16xf32>,
      %get3A_383 = vector.shape_cast %get3A_382 : vector<1x1x16xf32> to vector<16xf32>
      %get3A_384 = arith.constant 1 : i32
      %get3A_385 = arith.constant 6 : i32
      %get3A_386 = arith.index_cast %get3A_384 : i32 to index
      %get3A_387 = arith.index_cast %get3A_385 : i32 to index
      %get3A_388 = arith.index_cast %mul3A_212 : i32 to index
      %get3A_389 = tpu.vector_load %arg6[%get3A_386, %get3A_387, %get3A_388] {strides = array<i32>} : memref<2x16x512xi32, #tpu.memory_space<vmem>>, vector<1x1x16xi32>,
      %get3A_390 = vector.shape_cast %get3A_389 : vector<1x1x16xi32> to vector<16xi32>
      %gt3A_391 = arith.constant 0.000000e+00 : f32
      %gt3A_392 = vector.broadcast %gt3A_391 : f32 to vector<16xf32>
      %gt3A_393 = arith.cmpf ogt, %get3A_383, %gt3A_392 : vector<16xf32>
      %jit3A_394 = arith.constant 0 : i32
      %broadcast_in_dim3A_395 = vector.broadcast %jit3A_394 : i32 to vector<16xi32>
      %select_n3A_396 = arith.select %gt3A_393, %get3A_390, %broadcast_in_dim3A_395 : vector<16xi1>, vector<16xi32>
      %add3A_397 = arith.addi %add3A_285, %select_n3A_396 : vector<16xi32>
      %jit3A_398 = arith.constant 1 : i32
      %jit3A_399 = arith.constant 0 : i32
      %broadcast_in_dim3A_400 = vector.broadcast %jit3A_398 : i32 to vector<16xi32>
      %broadcast_in_dim3A_401 = vector.broadcast %jit3A_399 : i32 to vector<16xi32>
      %select_n3A_402 = arith.select %gt3A_393, %broadcast_in_dim3A_400, %broadcast_in_dim3A_401 : vector<16xi1>, vector<16xi32>
      %add3A_403 = arith.addi %add3A_291, %select_n3A_402 : vector<16xi32>
      %add3A_404 = arith.addi %add3A_292, %get3A_390 : vector<16xi32>
      %get3A_405 = arith.constant 1 : i32
      %get3A_406 = arith.constant 7 : i32
      %get3A_407 = arith.index_cast %get3A_405 : i32 to index
      %get3A_408 = arith.index_cast %get3A_406 : i32 to index
      %get3A_409 = arith.index_cast %mul3A_212 : i32 to index
      %get3A_410 = tpu.vector_load %arg5[%get3A_407, %get3A_408, %get3A_409] {strides = array<i32>} : memref<2x16x512xf32, #tpu.memory_space<vmem>>, vector<1x1x16xf32>,
      %get3A_411 = vector.shape_cast %get3A_410 : vector<1x1x16xf32> to vector<16xf32>
      %get3A_412 = arith.constant 1 : i32
      %get3A_413 = arith.constant 7 : i32
      %get3A_414 = arith.index_cast %get3A_412 : i32 to index
      %get3A_415 = arith.index_cast %get3A_413 : i32 to index
      %get3A_416 = arith.index_cast %mul3A_212 : i32 to index
      %get3A_417 = tpu.vector_load %arg6[%get3A_414, %get3A_415, %get3A_416] {strides = array<i32>} : memref<2x16x512xi32, #tpu.memory_space<vmem>>, vector<1x1x16xi32>,
      %get3A_418 = vector.shape_cast %get3A_417 : vector<1x1x16xi32> to vector<16xi32>
      %gt3A_419 = arith.constant 0.000000e+00 : f32
      %gt3A_420 = vector.broadcast %gt3A_419 : f32 to vector<16xf32>
      %gt3A_421 = arith.cmpf ogt, %get3A_411, %gt3A_420 : vector<16xf32>
      %jit3A_422 = arith.constant 0 : i32
      %broadcast_in_dim3A_423 = vector.broadcast %jit3A_422 : i32 to vector<16xi32>
      %select_n3A_424 = arith.select %gt3A_421, %get3A_418, %broadcast_in_dim3A_423 : vector<16xi1>, vector<16xi32>
      %add3A_425 = arith.addi %add3A_313, %select_n3A_424 : vector<16xi32>
      %jit3A_426 = arith.constant 1 : i32
      %jit3A_427 = arith.constant 0 : i32
      %broadcast_in_dim3A_428 = vector.broadcast %jit3A_426 : i32 to vector<16xi32>
      %broadcast_in_dim3A_429 = vector.broadcast %jit3A_427 : i32 to vector<16xi32>
      %select_n3A_430 = arith.select %gt3A_421, %broadcast_in_dim3A_428, %broadcast_in_dim3A_429 : vector<16xi1>, vector<16xi32>
      %add3A_431 = arith.addi %add3A_319, %select_n3A_430 : vector<16xi32>
      %add3A_432 = arith.addi %add3A_320, %get3A_418 : vector<16xi32>
      %get3A_433 = arith.constant 1 : i32
      %get3A_434 = arith.constant 8 : i32
      %get3A_435 = arith.index_cast %get3A_433 : i32 to index
      %get3A_436 = arith.index_cast %get3A_434 : i32 to index
      %get3A_437 = arith.index_cast %mul3A_212 : i32 to index
      %get3A_438 = tpu.vector_load %arg5[%get3A_435, %get3A_436, %get3A_437] {strides = array<i32>} : memref<2x16x512xf32, #tpu.memory_space<vmem>>, vector<1x1x16xf32>,
      %get3A_439 = vector.shape_cast %get3A_438 : vector<1x1x16xf32> to vector<16xf32>
      %get3A_440 = arith.constant 1 : i32
      %get3A_441 = arith.constant 8 : i32
      %get3A_442 = arith.index_cast %get3A_440 : i32 to index
      %get3A_443 = arith.index_cast %get3A_441 : i32 to index
      %get3A_444 = arith.index_cast %mul3A_212 : i32 to index
      %get3A_445 = tpu.vector_load %arg6[%get3A_442, %get3A_443, %get3A_444] {strides = array<i32>} : memref<2x16x512xi32, #tpu.memory_space<vmem>>, vector<1x1x16xi32>,
      %get3A_446 = vector.shape_cast %get3A_445 : vector<1x1x16xi32> to vector<16xi32>
      %gt3A_447 = arith.constant 0.000000e+00 : f32
      %gt3A_448 = vector.broadcast %gt3A_447 : f32 to vector<16xf32>
      %gt3A_449 = arith.cmpf ogt, %get3A_439, %gt3A_448 : vector<16xf32>
      %jit3A_450 = arith.constant 0 : i32
      %broadcast_in_dim3A_451 = vector.broadcast %jit3A_450 : i32 to vector<16xi32>
      %select_n3A_452 = arith.select %gt3A_449, %get3A_446, %broadcast_in_dim3A_451 : vector<16xi1>, vector<16xi32>
      %add3A_453 = arith.addi %add3A_341, %select_n3A_452 : vector<16xi32>
      %jit3A_454 = arith.constant 1 : i32
      %jit3A_455 = arith.constant 0 : i32
      %broadcast_in_dim3A_456 = vector.broadcast %jit3A_454 : i32 to vector<16xi32>
      %broadcast_in_dim3A_457 = vector.broadcast %jit3A_455 : i32 to vector<16xi32>
      %select_n3A_458 = arith.select %gt3A_449, %broadcast_in_dim3A_456, %broadcast_in_dim3A_457 : vector<16xi1>, vector<16xi32>
      %add3A_459 = arith.addi %add3A_347, %select_n3A_458 : vector<16xi32>
      %add3A_460 = arith.addi %add3A_348, %get3A_446 : vector<16xi32>
      %get3A_461 = arith.constant 1 : i32
      %get3A_462 = arith.constant 9 : i32
      %get3A_463 = arith.index_cast %get3A_461 : i32 to index
      %get3A_464 = arith.index_cast %get3A_462 : i32 to index
      %get3A_465 = arith.index_cast %mul3A_212 : i32 to index
      %get3A_466 = tpu.vector_load %arg5[%get3A_463, %get3A_464, %get3A_465] {strides = array<i32>} : memref<2x16x512xf32, #tpu.memory_space<vmem>>, vector<1x1x16xf32>,
      %get3A_467 = vector.shape_cast %get3A_466 : vector<1x1x16xf32> to vector<16xf32>
      %get3A_468 = arith.constant 1 : i32
      %get3A_469 = arith.constant 9 : i32
      %get3A_470 = arith.index_cast %get3A_468 : i32 to index
      %get3A_471 = arith.index_cast %get3A_469 : i32 to index
      %get3A_472 = arith.index_cast %mul3A_212 : i32 to index
      %get3A_473 = tpu.vector_load %arg6[%get3A_470, %get3A_471, %get3A_472] {strides = array<i32>} : memref<2x16x512xi32, #tpu.memory_space<vmem>>, vector<1x1x16xi32>,
      %get3A_474 = vector.shape_cast %get3A_473 : vector<1x1x16xi32> to vector<16xi32>
      %gt3A_475 = arith.constant 0.000000e+00 : f32
      %gt3A_476 = vector.broadcast %gt3A_475 : f32 to vector<16xf32>
      %gt3A_477 = arith.cmpf ogt, %get3A_467, %gt3A_476 : vector<16xf32>
      %jit3A_478 = arith.constant 0 : i32
      %broadcast_in_dim3A_479 = vector.broadcast %jit3A_478 : i32 to vector<16xi32>
      %select_n3A_480 = arith.select %gt3A_477, %get3A_474, %broadcast_in_dim3A_479 : vector<16xi1>, vector<16xi32>
      %add3A_481 = arith.addi %add3A_369, %select_n3A_480 : vector<16xi32>
      %jit3A_482 = arith.constant 1 : i32
      %jit3A_483 = arith.constant 0 : i32
      %broadcast_in_dim3A_484 = vector.broadcast %jit3A_482 : i32 to vector<16xi32>
      %broadcast_in_dim3A_485 = vector.broadcast %jit3A_483 : i32 to vector<16xi32>
      %select_n3A_486 = arith.select %gt3A_477, %broadcast_in_dim3A_484, %broadcast_in_dim3A_485 : vector<16xi1>, vector<16xi32>
      %add3A_487 = arith.addi %add3A_375, %select_n3A_486 : vector<16xi32>
      %add3A_488 = arith.addi %add3A_376, %get3A_474 : vector<16xi32>
      %get3A_489 = arith.constant 1 : i32
      %get3A_490 = arith.constant 10 : i32
      %get3A_491 = arith.index_cast %get3A_489 : i32 to index
      %get3A_492 = arith.index_cast %get3A_490 : i32 to index
      %get3A_493 = arith.index_cast %mul3A_212 : i32 to index
      %get3A_494 = tpu.vector_load %arg5[%get3A_491, %get3A_492, %get3A_493] {strides = array<i32>} : memref<2x16x512xf32, #tpu.memory_space<vmem>>, vector<1x1x16xf32>,
      %get3A_495 = vector.shape_cast %get3A_494 : vector<1x1x16xf32> to vector<16xf32>
      %get3A_496 = arith.constant 1 : i32
      %get3A_497 = arith.constant 10 : i32
      %get3A_498 = arith.index_cast %get3A_496 : i32 to index
      %get3A_499 = arith.index_cast %get3A_497 : i32 to index
      %get3A_500 = arith.index_cast %mul3A_212 : i32 to index
      %get3A_501 = tpu.vector_load %arg6[%get3A_498, %get3A_499, %get3A_500] {strides = array<i32>} : memref<2x16x512xi32, #tpu.memory_space<vmem>>, vector<1x1x16xi32>,
      %get3A_502 = vector.shape_cast %get3A_501 : vector<1x1x16xi32> to vector<16xi32>
      %gt3A_503 = arith.constant 0.000000e+00 : f32
      %gt3A_504 = vector.broadcast %gt3A_503 : f32 to vector<16xf32>
      %gt3A_505 = arith.cmpf ogt, %get3A_495, %gt3A_504 : vector<16xf32>
      %jit3A_506 = arith.constant 0 : i32
      %broadcast_in_dim3A_507 = vector.broadcast %jit3A_506 : i32 to vector<16xi32>
      %select_n3A_508 = arith.select %gt3A_505, %get3A_502, %broadcast_in_dim3A_507 : vector<16xi1>, vector<16xi32>
      %add3A_509 = arith.addi %add3A_397, %select_n3A_508 : vector<16xi32>
      %jit3A_510 = arith.constant 1 : i32
      %jit3A_511 = arith.constant 0 : i32
      %broadcast_in_dim3A_512 = vector.broadcast %jit3A_510 : i32 to vector<16xi32>
      %broadcast_in_dim3A_513 = vector.broadcast %jit3A_511 : i32 to vector<16xi32>
      %select_n3A_514 = arith.select %gt3A_505, %broadcast_in_dim3A_512, %broadcast_in_dim3A_513 : vector<16xi1>, vector<16xi32>
      %add3A_515 = arith.addi %add3A_403, %select_n3A_514 : vector<16xi32>
      %add3A_516 = arith.addi %add3A_404, %get3A_502 : vector<16xi32>
      %get3A_517 = arith.constant 1 : i32
      %get3A_518 = arith.constant 11 : i32
      %get3A_519 = arith.index_cast %get3A_517 : i32 to index
      %get3A_520 = arith.index_cast %get3A_518 : i32 to index
      %get3A_521 = arith.index_cast %mul3A_212 : i32 to index
      %get3A_522 = tpu.vector_load %arg5[%get3A_519, %get3A_520, %get3A_521] {strides = array<i32>} : memref<2x16x512xf32, #tpu.memory_space<vmem>>, vector<1x1x16xf32>,
      %get3A_523 = vector.shape_cast %get3A_522 : vector<1x1x16xf32> to vector<16xf32>
      %get3A_524 = arith.constant 1 : i32
      %get3A_525 = arith.constant 11 : i32
      %get3A_526 = arith.index_cast %get3A_524 : i32 to index
      %get3A_527 = arith.index_cast %get3A_525 : i32 to index
      %get3A_528 = arith.index_cast %mul3A_212 : i32 to index
      %get3A_529 = tpu.vector_load %arg6[%get3A_526, %get3A_527, %get3A_528] {strides = array<i32>} : memref<2x16x512xi32, #tpu.memory_space<vmem>>, vector<1x1x16xi32>,
      %get3A_530 = vector.shape_cast %get3A_529 : vector<1x1x16xi32> to vector<16xi32>
      %gt3A_531 = arith.constant 0.000000e+00 : f32
      %gt3A_532 = vector.broadcast %gt3A_531 : f32 to vector<16xf32>
      %gt3A_533 = arith.cmpf ogt, %get3A_523, %gt3A_532 : vector<16xf32>
      %jit3A_534 = arith.constant 0 : i32
      %broadcast_in_dim3A_535 = vector.broadcast %jit3A_534 : i32 to vector<16xi32>
      %select_n3A_536 = arith.select %gt3A_533, %get3A_530, %broadcast_in_dim3A_535 : vector<16xi1>, vector<16xi32>
      %add3A_537 = arith.addi %add3A_425, %select_n3A_536 : vector<16xi32>
      %jit3A_538 = arith.constant 1 : i32
      %jit3A_539 = arith.constant 0 : i32
      %broadcast_in_dim3A_540 = vector.broadcast %jit3A_538 : i32 to vector<16xi32>
      %broadcast_in_dim3A_541 = vector.broadcast %jit3A_539 : i32 to vector<16xi32>
      %select_n3A_542 = arith.select %gt3A_533, %broadcast_in_dim3A_540, %broadcast_in_dim3A_541 : vector<16xi1>, vector<16xi32>
      %add3A_543 = arith.addi %add3A_431, %select_n3A_542 : vector<16xi32>
      %add3A_544 = arith.addi %add3A_432, %get3A_530 : vector<16xi32>
      %get3A_545 = arith.constant 1 : i32
      %get3A_546 = arith.constant 12 : i32
      %get3A_547 = arith.index_cast %get3A_545 : i32 to index
      %get3A_548 = arith.index_cast %get3A_546 : i32 to index
      %get3A_549 = arith.index_cast %mul3A_212 : i32 to index
      %get3A_550 = tpu.vector_load %arg5[%get3A_547, %get3A_548, %get3A_549] {strides = array<i32>} : memref<2x16x512xf32, #tpu.memory_space<vmem>>, vector<1x1x16xf32>,
      %get3A_551 = vector.shape_cast %get3A_550 : vector<1x1x16xf32> to vector<16xf32>
      %get3A_552 = arith.constant 1 : i32
      %get3A_553 = arith.constant 12 : i32
      %get3A_554 = arith.index_cast %get3A_552 : i32 to index
      %get3A_555 = arith.index_cast %get3A_553 : i32 to index
      %get3A_556 = arith.index_cast %mul3A_212 : i32 to index
      %get3A_557 = tpu.vector_load %arg6[%get3A_554, %get3A_555, %get3A_556] {strides = array<i32>} : memref<2x16x512xi32, #tpu.memory_space<vmem>>, vector<1x1x16xi32>,
      %get3A_558 = vector.shape_cast %get3A_557 : vector<1x1x16xi32> to vector<16xi32>
      %gt3A_559 = arith.constant 0.000000e+00 : f32
      %gt3A_560 = vector.broadcast %gt3A_559 : f32 to vector<16xf32>
      %gt3A_561 = arith.cmpf ogt, %get3A_551, %gt3A_560 : vector<16xf32>
      %jit3A_562 = arith.constant 0 : i32
      %broadcast_in_dim3A_563 = vector.broadcast %jit3A_562 : i32 to vector<16xi32>
      %select_n3A_564 = arith.select %gt3A_561, %get3A_558, %broadcast_in_dim3A_563 : vector<16xi1>, vector<16xi32>
      %add3A_565 = arith.addi %add3A_453, %select_n3A_564 : vector<16xi32>
      %jit3A_566 = arith.constant 1 : i32
      %jit3A_567 = arith.constant 0 : i32
      %broadcast_in_dim3A_568 = vector.broadcast %jit3A_566 : i32 to vector<16xi32>
      %broadcast_in_dim3A_569 = vector.broadcast %jit3A_567 : i32 to vector<16xi32>
      %select_n3A_570 = arith.select %gt3A_561, %broadcast_in_dim3A_568, %broadcast_in_dim3A_569 : vector<16xi1>, vector<16xi32>
      %add3A_571 = arith.addi %add3A_459, %select_n3A_570 : vector<16xi32>
      %add3A_572 = arith.addi %add3A_460, %get3A_558 : vector<16xi32>
      %get3A_573 = arith.constant 1 : i32
      %get3A_574 = arith.constant 13 : i32
      %get3A_575 = arith.index_cast %get3A_573 : i32 to index
      %get3A_576 = arith.index_cast %get3A_574 : i32 to index
      %get3A_577 = arith.index_cast %mul3A_212 : i32 to index
      %get3A_578 = tpu.vector_load %arg5[%get3A_575, %get3A_576, %get3A_577] {strides = array<i32>} : memref<2x16x512xf32, #tpu.memory_space<vmem>>, vector<1x1x16xf32>,
      %get3A_579 = vector.shape_cast %get3A_578 : vector<1x1x16xf32> to vector<16xf32>
      %get3A_580 = arith.constant 1 : i32
      %get3A_581 = arith.constant 13 : i32
      %get3A_582 = arith.index_cast %get3A_580 : i32 to index
      %get3A_583 = arith.index_cast %get3A_581 : i32 to index
      %get3A_584 = arith.index_cast %mul3A_212 : i32 to index
      %get3A_585 = tpu.vector_load %arg6[%get3A_582, %get3A_583, %get3A_584] {strides = array<i32>} : memref<2x16x512xi32, #tpu.memory_space<vmem>>, vector<1x1x16xi32>,
      %get3A_586 = vector.shape_cast %get3A_585 : vector<1x1x16xi32> to vector<16xi32>
      %gt3A_587 = arith.constant 0.000000e+00 : f32
      %gt3A_588 = vector.broadcast %gt3A_587 : f32 to vector<16xf32>
      %gt3A_589 = arith.cmpf ogt, %get3A_579, %gt3A_588 : vector<16xf32>
      %jit3A_590 = arith.constant 0 : i32
      %broadcast_in_dim3A_591 = vector.broadcast %jit3A_590 : i32 to vector<16xi32>
      %select_n3A_592 = arith.select %gt3A_589, %get3A_586, %broadcast_in_dim3A_591 : vector<16xi1>, vector<16xi32>
      %add3A_593 = arith.addi %add3A_481, %select_n3A_592 : vector<16xi32>
      %jit3A_594 = arith.constant 1 : i32
      %jit3A_595 = arith.constant 0 : i32
      %broadcast_in_dim3A_596 = vector.broadcast %jit3A_594 : i32 to vector<16xi32>
      %broadcast_in_dim3A_597 = vector.broadcast %jit3A_595 : i32 to vector<16xi32>
      %select_n3A_598 = arith.select %gt3A_589, %broadcast_in_dim3A_596, %broadcast_in_dim3A_597 : vector<16xi1>, vector<16xi32>
      %add3A_599 = arith.addi %add3A_487, %select_n3A_598 : vector<16xi32>
      %add3A_600 = arith.addi %add3A_488, %get3A_586 : vector<16xi32>
      %get3A_601 = arith.constant 1 : i32
      %get3A_602 = arith.constant 14 : i32
      %get3A_603 = arith.index_cast %get3A_601 : i32 to index
      %get3A_604 = arith.index_cast %get3A_602 : i32 to index
      %get3A_605 = arith.index_cast %mul3A_212 : i32 to index
      %get3A_606 = tpu.vector_load %arg5[%get3A_603, %get3A_604, %get3A_605] {strides = array<i32>} : memref<2x16x512xf32, #tpu.memory_space<vmem>>, vector<1x1x16xf32>,
      %get3A_607 = vector.shape_cast %get3A_606 : vector<1x1x16xf32> to vector<16xf32>
      %get3A_608 = arith.constant 1 : i32
      %get3A_609 = arith.constant 14 : i32
      %get3A_610 = arith.index_cast %get3A_608 : i32 to index
      %get3A_611 = arith.index_cast %get3A_609 : i32 to index
      %get3A_612 = arith.index_cast %mul3A_212 : i32 to index
      %get3A_613 = tpu.vector_load %arg6[%get3A_610, %get3A_611, %get3A_612] {strides = array<i32>} : memref<2x16x512xi32, #tpu.memory_space<vmem>>, vector<1x1x16xi32>,
      %get3A_614 = vector.shape_cast %get3A_613 : vector<1x1x16xi32> to vector<16xi32>
      %gt3A_615 = arith.constant 0.000000e+00 : f32
      %gt3A_616 = vector.broadcast %gt3A_615 : f32 to vector<16xf32>
      %gt3A_617 = arith.cmpf ogt, %get3A_607, %gt3A_616 : vector<16xf32>
      %jit3A_618 = arith.constant 0 : i32
      %broadcast_in_dim3A_619 = vector.broadcast %jit3A_618 : i32 to vector<16xi32>
      %select_n3A_620 = arith.select %gt3A_617, %get3A_614, %broadcast_in_dim3A_619 : vector<16xi1>, vector<16xi32>
      %add3A_621 = arith.addi %add3A_509, %select_n3A_620 : vector<16xi32>
      %jit3A_622 = arith.constant 1 : i32
      %jit3A_623 = arith.constant 0 : i32
      %broadcast_in_dim3A_624 = vector.broadcast %jit3A_622 : i32 to vector<16xi32>
      %broadcast_in_dim3A_625 = vector.broadcast %jit3A_623 : i32 to vector<16xi32>
      %select_n3A_626 = arith.select %gt3A_617, %broadcast_in_dim3A_624, %broadcast_in_dim3A_625 : vector<16xi1>, vector<16xi32>
      %add3A_627 = arith.addi %add3A_515, %select_n3A_626 : vector<16xi32>
      %add3A_628 = arith.addi %add3A_516, %get3A_614 : vector<16xi32>
      %get3A_629 = arith.constant 1 : i32
      %get3A_630 = arith.constant 15 : i32
      %get3A_631 = arith.index_cast %get3A_629 : i32 to index
      %get3A_632 = arith.index_cast %get3A_630 : i32 to index
      %get3A_633 = arith.index_cast %mul3A_212 : i32 to index
      %get3A_634 = tpu.vector_load %arg5[%get3A_631, %get3A_632, %get3A_633] {strides = array<i32>} : memref<2x16x512xf32, #tpu.memory_space<vmem>>, vector<1x1x16xf32>,
      %get3A_635 = vector.shape_cast %get3A_634 : vector<1x1x16xf32> to vector<16xf32>
      %get3A_636 = arith.constant 1 : i32
      %get3A_637 = arith.constant 15 : i32
      %get3A_638 = arith.index_cast %get3A_636 : i32 to index
      %get3A_639 = arith.index_cast %get3A_637 : i32 to index
      %get3A_640 = arith.index_cast %mul3A_212 : i32 to index
      %get3A_641 = tpu.vector_load %arg6[%get3A_638, %get3A_639, %get3A_640] {strides = array<i32>} : memref<2x16x512xi32, #tpu.memory_space<vmem>>, vector<1x1x16xi32>,
      %get3A_642 = vector.shape_cast %get3A_641 : vector<1x1x16xi32> to vector<16xi32>
      %gt3A_643 = arith.constant 0.000000e+00 : f32
      %gt3A_644 = vector.broadcast %gt3A_643 : f32 to vector<16xf32>
      %gt3A_645 = arith.cmpf ogt, %get3A_635, %gt3A_644 : vector<16xf32>
      %jit3A_646 = arith.constant 0 : i32
      %broadcast_in_dim3A_647 = vector.broadcast %jit3A_646 : i32 to vector<16xi32>
      %select_n3A_648 = arith.select %gt3A_645, %get3A_642, %broadcast_in_dim3A_647 : vector<16xi1>, vector<16xi32>
      %add3A_649 = arith.addi %add3A_537, %select_n3A_648 : vector<16xi32>
      %jit3A_650 = arith.constant 1 : i32
      %jit3A_651 = arith.constant 0 : i32
      %broadcast_in_dim3A_652 = vector.broadcast %jit3A_650 : i32 to vector<16xi32>
      %broadcast_in_dim3A_653 = vector.broadcast %jit3A_651 : i32 to vector<16xi32>
      %select_n3A_654 = arith.select %gt3A_645, %broadcast_in_dim3A_652, %broadcast_in_dim3A_653 : vector<16xi1>, vector<16xi32>
      %add3A_655 = arith.addi %add3A_543, %select_n3A_654 : vector<16xi32>
      %add3A_656 = arith.addi %add3A_544, %get3A_642 : vector<16xi32>
      scf.yield %add3A_565, %add3A_593, %add3A_621, %add3A_649, %add3A_571, %add3A_599, %add3A_627, %add3A_655, %add3A_572, %add3A_600, %add3A_628, %add3A_656 : vector<16xi32>, vector<16xi32>, vector<16xi32>, vector<16xi32>, vector<16xi32>, vector<16xi32>, vector<16xi32>, vector<16xi32>, vector<16xi32>, vector<16xi32>, vector<16xi32>, vector<16xi32>
    }
    %scan3A_170 = arith.constant 32 : i32
    %add3A_171 = arith.addi %scan3A_169#0, %scan3A_169#1 : vector<16xi32>
    %add3A_172 = arith.addi %scan3A_169#2, %scan3A_169#3 : vector<16xi32>
    %add3A_173 = arith.addi %add3A_171, %add3A_172 : vector<16xi32>
    %swap3A_174 = arith.constant 1 : i32
    %swap3A_175 = arith.index_cast %swap3A_174 : i32 to index
    %swap3A_176 = arith.constant 0 : index
    %swap3A_177 = tpu.vector_load %arg7[%swap3A_175, %swap3A_176] {strides = array<i32>} : memref<6x16xi32, #tpu.memory_space<vmem>>, vector<1x16xi32>,
    %swap3A_178 = vector.shape_cast %swap3A_177 : vector<1x16xi32> to vector<16xi32>
    %swap3A_179 = vector.shape_cast %add3A_173 : vector<16xi32> to vector<1x16xi32>
    tpu.vector_store %arg7[%swap3A_175, %swap3A_176], %swap3A_179 {strides = array<i32>} : memref<6x16xi32, #tpu.memory_space<vmem>>, vector<1x16xi32>,
    %add3A_180 = arith.addi %scan3A_169#4, %scan3A_169#5 : vector<16xi32>
    %add3A_181 = arith.addi %scan3A_169#6, %scan3A_169#7 : vector<16xi32>
    %add3A_182 = arith.addi %add3A_180, %add3A_181 : vector<16xi32>
    %swap3A_183 = arith.constant 3 : i32
    %swap3A_184 = arith.index_cast %swap3A_183 : i32 to index
    %swap3A_185 = arith.constant 0 : index
    %swap3A_186 = tpu.vector_load %arg7[%swap3A_184, %swap3A_185] {strides = array<i32>} : memref<6x16xi32, #tpu.memory_space<vmem>>, vector<1x16xi32>,
    %swap3A_187 = vector.shape_cast %swap3A_186 : vector<1x16xi32> to vector<16xi32>
    %swap3A_188 = vector.shape_cast %add3A_182 : vector<16xi32> to vector<1x16xi32>
    tpu.vector_store %arg7[%swap3A_184, %swap3A_185], %swap3A_188 {strides = array<i32>} : memref<6x16xi32, #tpu.memory_space<vmem>>, vector<1x16xi32>,
    %add3A_189 = arith.addi %scan3A_169#8, %scan3A_169#9 : vector<16xi32>
    %add3A_190 = arith.addi %scan3A_169#10, %scan3A_169#11 : vector<16xi32>
    %add3A_191 = arith.addi %add3A_189, %add3A_190 : vector<16xi32>
    %swap3A_192 = arith.constant 5 : i32
    %swap3A_193 = arith.index_cast %swap3A_192 : i32 to index
    %swap3A_194 = arith.constant 0 : index
    %swap3A_195 = tpu.vector_load %arg7[%swap3A_193, %swap3A_194] {strides = array<i32>} : memref<6x16xi32, #tpu.memory_space<vmem>>, vector<1x16xi32>,
    %swap3A_196 = vector.shape_cast %swap3A_195 : vector<1x16xi32> to vector<16xi32>
    %swap3A_197 = vector.shape_cast %add3A_191 : vector<16xi32> to vector<1x16xi32>
    tpu.vector_store %arg7[%swap3A_193, %swap3A_194], %swap3A_197 {strides = array<i32>} : memref<6x16xi32, #tpu.memory_space<vmem>>, vector<1x16xi32>,
    "tpu.region"() ({
      %run_scoped3A = tpu.sem_alloc : memref<!tpu.dma_semaphore, #tpu.memory_space<semaphore_mem>>
      %dma_start3A_198 = arith.constant 0 : i32
      %dma_start3A_199 = arith.constant 0 : i32
      %dma_start3A_200 = tpu.memref_slice %arg4[%add3A, %dma_start3A_198, %dma_start3A_199] : memref<32x6x16xi32, #tpu.memory_space<hbm>> -> memref<1x6x16xi32, #tpu.memory_space<hbm>>
      %dma_start3A_201 = tpu.memref_squeeze %dma_start3A_200 : memref<1x6x16xi32, #tpu.memory_space<hbm>> -> memref<6x16xi32, #tpu.memory_space<hbm>>
      %dma_start3A_202 = arith.constant 0 : i32
      %dma_start3A_203 = arith.constant 0 : i32
      %dma_start3A_204 = tpu.memref_slice %arg4[%add3A, %dma_start3A_202, %dma_start3A_203] : memref<32x6x16xi32, #tpu.memory_space<hbm>> -> memref<1x6x16xi32, #tpu.memory_space<hbm>>
      %dma_start3A_205 = tpu.memref_squeeze %dma_start3A_204 : memref<1x6x16xi32, #tpu.memory_space<hbm>> -> memref<6x16xi32, #tpu.memory_space<hbm>>
      tpu.enqueue_dma source(%arg7 : memref<6x16xi32, #tpu.memory_space<vmem>>) target(%dma_start3A_205 : memref<6x16xi32, #tpu.memory_space<hbm>>) target_semaphore(%run_scoped3A : memref<!tpu.dma_semaphore, #tpu.memory_space<semaphore_mem>>)
      %dma_wait3A_206 = arith.constant 0 : i32
      %dma_wait3A_207 = arith.constant 0 : i32
      %dma_wait3A_208 = tpu.memref_slice %arg4[%add3A, %dma_wait3A_206, %dma_wait3A_207] : memref<32x6x16xi32, #tpu.memory_space<hbm>> -> memref<1x6x16xi32, #tpu.memory_space<hbm>>
      %dma_wait3A_209 = tpu.memref_squeeze %dma_wait3A_208 : memref<1x6x16xi32, #tpu.memory_space<hbm>> -> memref<6x16xi32, #tpu.memory_space<hbm>>
      %dma_wait3A_210 = arith.constant 0 : i32
      %dma_wait3A_211 = arith.constant 0 : i32
      %dma_wait3A_212 = tpu.memref_slice %arg4[%add3A, %dma_wait3A_210, %dma_wait3A_211] : memref<32x6x16xi32, #tpu.memory_space<hbm>> -> memref<1x6x16xi32, #tpu.memory_space<hbm>>
      %dma_wait3A_213 = tpu.memref_squeeze %dma_wait3A_212 : memref<1x6x16xi32, #tpu.memory_space<hbm>> -> memref<6x16xi32, #tpu.memory_space<hbm>>
      tpu.wait_dma2 semaphore(%run_scoped3A : memref<!tpu.dma_semaphore, #tpu.memory_space<semaphore_mem>>) src(%arg7 : memref<6x16xi32, #tpu.memory_space<vmem>>) dst(%dma_wait3A_213 : memref<6x16xi32, #tpu.memory_space<hbm>>)
      tpu.yield
    }) : () -> ()
    return
  }
}

module attributes {stable_mosaic.version = 14 : i64} {
  func.func @_combine(%arg0: memref<32x6x16xi32, #tpu.memory_space<vmem>>, %arg1: memref<6x1x128xf32, #tpu.memory_space<vmem>>, %arg2: memref<4xf32, #tpu.memory_space<vmem>>) attributes {dimension_semantics = [], scalar_prefetch = 0 : i64, scratch_operands = 0 : i64, tpu.core_type = #tpu.core_type<tc>} {
    %get3A = arith.constant 0 : index
    %get3A_0 = arith.constant 0 : index
    %get3A_1 = arith.constant 0 : index
    %get3A_2 = vector.load %arg0[%get3A, %get3A_0, %get3A_1] : memref<32x6x16xi32, #tpu.memory_space<vmem>>, vector<32x6x16xi32>
    %convert_element_type3A = arith.sitofp %get3A_2 : vector<32x6x16xi32> to vector<32x6x16xf32>
    %reduce_sum3A = arith.constant dense<0.000000e+00> : vector<6x16xf32>
    %reduce_sum3A_3 = vector.multi_reduction <add>, %convert_element_type3A, %reduce_sum3A [0] : vector<32x6x16xf32> to vector<6x16xf32>
    %slice3A = vector.extract_strided_slice %reduce_sum3A_3 {offsets = [0, 0], sizes = [2, 16], strides = [1, 1]} : vector<6x16xf32> to vector<2x16xf32>
    %reduce_sum3A_4 = arith.constant dense<0.000000e+00> : vector<2xf32>
    %reduce_sum3A_5 = vector.multi_reduction <add>, %slice3A, %reduce_sum3A_4 [1] : vector<2x16xf32> to vector<2xf32>
    %slice3A_6 = vector.extract_strided_slice %reduce_sum3A_3 {offsets = [2, 0], sizes = [2, 16], strides = [1, 1]} : vector<6x16xf32> to vector<2x16xf32>
    %reduce_sum3A_7 = arith.constant dense<0.000000e+00> : vector<2xf32>
    %reduce_sum3A_8 = vector.multi_reduction <add>, %slice3A_6, %reduce_sum3A_7 [1] : vector<2x16xf32> to vector<2xf32>
    %slice3A_9 = vector.extract_strided_slice %reduce_sum3A_3 {offsets = [4, 0], sizes = [2, 16], strides = [1, 1]} : vector<6x16xf32> to vector<2x16xf32>
    %reduce_sum3A_10 = arith.constant dense<0.000000e+00> : vector<2xf32>
    %reduce_sum3A_11 = vector.multi_reduction <add>, %slice3A_9, %reduce_sum3A_10 [1] : vector<2x16xf32> to vector<2xf32>
    %get3A_12 = arith.constant 0 : index
    %get3A_13 = arith.constant 0 : index
    %get3A_14 = arith.constant 0 : index
    %get3A_15 = vector.load %arg1[%get3A_12, %get3A_13, %get3A_14] : memref<6x1x128xf32, #tpu.memory_space<vmem>>, vector<6x1x128xf32>
    %slice3A_16 = vector.extract_strided_slice %reduce_sum3A_5 {offsets = [0], sizes = [1], strides = [1]} : vector<2xf32> to vector<1xf32>
    %squeeze3A = vector.extract %slice3A_16[0] : f32 from vector<1xf32>
    %slice3A_17 = vector.extract_strided_slice %reduce_sum3A_8 {offsets = [0], sizes = [1], strides = [1]} : vector<2xf32> to vector<1xf32>
    %squeeze3A_18 = vector.extract %slice3A_17[0] : f32 from vector<1xf32>
    %slice3A_19 = vector.extract_strided_slice %reduce_sum3A_11 {offsets = [0], sizes = [1], strides = [1]} : vector<2xf32> to vector<1xf32>
    %squeeze3A_20 = vector.extract %slice3A_19[0] : f32 from vector<1xf32>
    %add3A = arith.constant 9.99999993E-9 : f32
    %add3A_21 = arith.addf %squeeze3A, %add3A : f32
    %add3A_22 = arith.constant 9.99999993E-9 : f32
    %add3A_23 = arith.addf %squeeze3A_18, %add3A_22 : f32
    %div3A = arith.divf %add3A_21, %add3A_23 : f32
    %add3A_24 = arith.constant 9.99999993E-9 : f32
    %add3A_25 = arith.addf %squeeze3A, %add3A_24 : f32
    %add3A_26 = arith.constant 9.99999993E-9 : f32
    %add3A_27 = arith.addf %squeeze3A_20, %add3A_26 : f32
    %div3A_28 = arith.divf %add3A_25, %add3A_27 : f32
    %mul3A = arith.constant 2.000000e+00 : f32
    %mul3A_29 = arith.mulf %mul3A, %div3A : f32
    %mul3A_30 = arith.mulf %mul3A_29, %div3A_28 : f32
    %add3A_31 = arith.addf %div3A, %div3A_28 : f32
    %div3A_32 = arith.divf %mul3A_30, %add3A_31 : f32
    %add3A_33 = arith.constant 9.99999993E-9 : f32
    %add3A_34 = arith.addf %squeeze3A, %add3A_33 : f32
    %add3A_35 = arith.addf %squeeze3A_18, %squeeze3A_20 : f32
    %sub3A = arith.subf %add3A_35, %squeeze3A : f32
    %add3A_36 = arith.constant 9.99999993E-9 : f32
    %add3A_37 = arith.addf %sub3A, %add3A_36 : f32
    %div3A_38 = arith.divf %add3A_34, %add3A_37 : f32
    %add3A_39 = arith.constant 0.000000e+00 : f32
    %add3A_40 = arith.addf %add3A_39, %div3A : f32
    %add3A_41 = arith.constant 0.000000e+00 : f32
    %add3A_42 = arith.addf %add3A_41, %div3A_28 : f32
    %add3A_43 = arith.constant 0.000000e+00 : f32
    %add3A_44 = arith.addf %add3A_43, %div3A_32 : f32
    %add3A_45 = arith.constant 0.000000e+00 : f32
    %add3A_46 = arith.addf %add3A_45, %div3A_38 : f32
    %slice3A_47 = vector.extract_strided_slice %reduce_sum3A_5 {offsets = [1], sizes = [1], strides = [1]} : vector<2xf32> to vector<1xf32>
    %squeeze3A_48 = vector.extract %slice3A_47[0] : f32 from vector<1xf32>
    %slice3A_49 = vector.extract_strided_slice %reduce_sum3A_8 {offsets = [1], sizes = [1], strides = [1]} : vector<2xf32> to vector<1xf32>
    %squeeze3A_50 = vector.extract %slice3A_49[0] : f32 from vector<1xf32>
    %slice3A_51 = vector.extract_strided_slice %reduce_sum3A_11 {offsets = [1], sizes = [1], strides = [1]} : vector<2xf32> to vector<1xf32>
    %squeeze3A_52 = vector.extract %slice3A_51[0] : f32 from vector<1xf32>
    %add3A_53 = arith.constant 9.99999993E-9 : f32
    %add3A_54 = arith.addf %squeeze3A_48, %add3A_53 : f32
    %add3A_55 = arith.constant 9.99999993E-9 : f32
    %add3A_56 = arith.addf %squeeze3A_50, %add3A_55 : f32
    %div3A_57 = arith.divf %add3A_54, %add3A_56 : f32
    %add3A_58 = arith.constant 9.99999993E-9 : f32
    %add3A_59 = arith.addf %squeeze3A_48, %add3A_58 : f32
    %add3A_60 = arith.constant 9.99999993E-9 : f32
    %add3A_61 = arith.addf %squeeze3A_52, %add3A_60 : f32
    %div3A_62 = arith.divf %add3A_59, %add3A_61 : f32
    %mul3A_63 = arith.constant 2.000000e+00 : f32
    %mul3A_64 = arith.mulf %mul3A_63, %div3A_57 : f32
    %mul3A_65 = arith.mulf %mul3A_64, %div3A_62 : f32
    %add3A_66 = arith.addf %div3A_57, %div3A_62 : f32
    %div3A_67 = arith.divf %mul3A_65, %add3A_66 : f32
    %add3A_68 = arith.constant 9.99999993E-9 : f32
    %add3A_69 = arith.addf %squeeze3A_48, %add3A_68 : f32
    %add3A_70 = arith.addf %squeeze3A_50, %squeeze3A_52 : f32
    %sub3A_71 = arith.subf %add3A_70, %squeeze3A_48 : f32
    %add3A_72 = arith.constant 9.99999993E-9 : f32
    %add3A_73 = arith.addf %sub3A_71, %add3A_72 : f32
    %div3A_74 = arith.divf %add3A_69, %add3A_73 : f32
    %add3A_75 = arith.addf %add3A_40, %div3A_57 : f32
    %add3A_76 = arith.addf %add3A_42, %div3A_62 : f32
    %add3A_77 = arith.addf %add3A_44, %div3A_67 : f32
    %add3A_78 = arith.addf %add3A_46, %div3A_74 : f32
    %slice3A_79 = vector.extract_strided_slice %get3A_15 {offsets = [0, 0, 0], sizes = [1, 1, 1], strides = [1, 1, 1]} : vector<6x1x128xf32> to vector<1x1x1xf32>
    %squeeze3A_80 = vector.extract %slice3A_79[0, 0, 0] : f32 from vector<1x1x1xf32>
    %slice3A_81 = vector.extract_strided_slice %get3A_15 {offsets = [0, 0, 1], sizes = [1, 1, 1], strides = [1, 1, 1]} : vector<6x1x128xf32> to vector<1x1x1xf32>
    %squeeze3A_82 = vector.extract %slice3A_81[0, 0, 0] : f32 from vector<1x1x1xf32>
    %slice3A_83 = vector.extract_strided_slice %get3A_15 {offsets = [0, 0, 2], sizes = [1, 1, 1], strides = [1, 1, 1]} : vector<6x1x128xf32> to vector<1x1x1xf32>
    %squeeze3A_84 = vector.extract %slice3A_83[0, 0, 0] : f32 from vector<1x1x1xf32>
    %add3A_85 = arith.constant 9.99999993E-9 : f32
    %add3A_86 = arith.addf %squeeze3A_80, %add3A_85 : f32
    %add3A_87 = arith.constant 9.99999993E-9 : f32
    %add3A_88 = arith.addf %squeeze3A_82, %add3A_87 : f32
    %div3A_89 = arith.divf %add3A_86, %add3A_88 : f32
    %add3A_90 = arith.constant 9.99999993E-9 : f32
    %add3A_91 = arith.addf %squeeze3A_80, %add3A_90 : f32
    %add3A_92 = arith.constant 9.99999993E-9 : f32
    %add3A_93 = arith.addf %squeeze3A_84, %add3A_92 : f32
    %div3A_94 = arith.divf %add3A_91, %add3A_93 : f32
    %mul3A_95 = arith.constant 2.000000e+00 : f32
    %mul3A_96 = arith.mulf %mul3A_95, %div3A_89 : f32
    %mul3A_97 = arith.mulf %mul3A_96, %div3A_94 : f32
    %add3A_98 = arith.addf %div3A_89, %div3A_94 : f32
    %div3A_99 = arith.divf %mul3A_97, %add3A_98 : f32
    %add3A_100 = arith.constant 9.99999993E-9 : f32
    %add3A_101 = arith.addf %squeeze3A_80, %add3A_100 : f32
    %add3A_102 = arith.addf %squeeze3A_82, %squeeze3A_84 : f32
    %sub3A_103 = arith.subf %add3A_102, %squeeze3A_80 : f32
    %add3A_104 = arith.constant 9.99999993E-9 : f32
    %add3A_105 = arith.addf %sub3A_103, %add3A_104 : f32
    %div3A_106 = arith.divf %add3A_101, %add3A_105 : f32
    %add3A_107 = arith.addf %add3A_75, %div3A_89 : f32
    %add3A_108 = arith.addf %add3A_76, %div3A_94 : f32
    %add3A_109 = arith.addf %add3A_77, %div3A_99 : f32
    %add3A_110 = arith.addf %add3A_78, %div3A_106 : f32
    %slice3A_111 = vector.extract_strided_slice %get3A_15 {offsets = [1, 0, 0], sizes = [1, 1, 1], strides = [1, 1, 1]} : vector<6x1x128xf32> to vector<1x1x1xf32>
    %squeeze3A_112 = vector.extract %slice3A_111[0, 0, 0] : f32 from vector<1x1x1xf32>
    %slice3A_113 = vector.extract_strided_slice %get3A_15 {offsets = [1, 0, 1], sizes = [1, 1, 1], strides = [1, 1, 1]} : vector<6x1x128xf32> to vector<1x1x1xf32>
    %squeeze3A_114 = vector.extract %slice3A_113[0, 0, 0] : f32 from vector<1x1x1xf32>
    %slice3A_115 = vector.extract_strided_slice %get3A_15 {offsets = [1, 0, 2], sizes = [1, 1, 1], strides = [1, 1, 1]} : vector<6x1x128xf32> to vector<1x1x1xf32>
    %squeeze3A_116 = vector.extract %slice3A_115[0, 0, 0] : f32 from vector<1x1x1xf32>
    %add3A_117 = arith.constant 9.99999993E-9 : f32
    %add3A_118 = arith.addf %squeeze3A_112, %add3A_117 : f32
    %add3A_119 = arith.constant 9.99999993E-9 : f32
    %add3A_120 = arith.addf %squeeze3A_114, %add3A_119 : f32
    %div3A_121 = arith.divf %add3A_118, %add3A_120 : f32
    %add3A_122 = arith.constant 9.99999993E-9 : f32
    %add3A_123 = arith.addf %squeeze3A_112, %add3A_122 : f32
    %add3A_124 = arith.constant 9.99999993E-9 : f32
    %add3A_125 = arith.addf %squeeze3A_116, %add3A_124 : f32
    %div3A_126 = arith.divf %add3A_123, %add3A_125 : f32
    %mul3A_127 = arith.constant 2.000000e+00 : f32
    %mul3A_128 = arith.mulf %mul3A_127, %div3A_121 : f32
    %mul3A_129 = arith.mulf %mul3A_128, %div3A_126 : f32
    %add3A_130 = arith.addf %div3A_121, %div3A_126 : f32
    %div3A_131 = arith.divf %mul3A_129, %add3A_130 : f32
    %add3A_132 = arith.constant 9.99999993E-9 : f32
    %add3A_133 = arith.addf %squeeze3A_112, %add3A_132 : f32
    %add3A_134 = arith.addf %squeeze3A_114, %squeeze3A_116 : f32
    %sub3A_135 = arith.subf %add3A_134, %squeeze3A_112 : f32
    %add3A_136 = arith.constant 9.99999993E-9 : f32
    %add3A_137 = arith.addf %sub3A_135, %add3A_136 : f32
    %div3A_138 = arith.divf %add3A_133, %add3A_137 : f32
    %add3A_139 = arith.addf %add3A_107, %div3A_121 : f32
    %add3A_140 = arith.addf %add3A_108, %div3A_126 : f32
    %add3A_141 = arith.addf %add3A_109, %div3A_131 : f32
    %add3A_142 = arith.addf %add3A_110, %div3A_138 : f32
    %slice3A_143 = vector.extract_strided_slice %get3A_15 {offsets = [2, 0, 0], sizes = [1, 1, 1], strides = [1, 1, 1]} : vector<6x1x128xf32> to vector<1x1x1xf32>
    %squeeze3A_144 = vector.extract %slice3A_143[0, 0, 0] : f32 from vector<1x1x1xf32>
    %slice3A_145 = vector.extract_strided_slice %get3A_15 {offsets = [2, 0, 1], sizes = [1, 1, 1], strides = [1, 1, 1]} : vector<6x1x128xf32> to vector<1x1x1xf32>
    %squeeze3A_146 = vector.extract %slice3A_145[0, 0, 0] : f32 from vector<1x1x1xf32>
    %slice3A_147 = vector.extract_strided_slice %get3A_15 {offsets = [2, 0, 2], sizes = [1, 1, 1], strides = [1, 1, 1]} : vector<6x1x128xf32> to vector<1x1x1xf32>
    %squeeze3A_148 = vector.extract %slice3A_147[0, 0, 0] : f32 from vector<1x1x1xf32>
    %add3A_149 = arith.constant 9.99999993E-9 : f32
    %add3A_150 = arith.addf %squeeze3A_144, %add3A_149 : f32
    %add3A_151 = arith.constant 9.99999993E-9 : f32
    %add3A_152 = arith.addf %squeeze3A_146, %add3A_151 : f32
    %div3A_153 = arith.divf %add3A_150, %add3A_152 : f32
    %add3A_154 = arith.constant 9.99999993E-9 : f32
    %add3A_155 = arith.addf %squeeze3A_144, %add3A_154 : f32
    %add3A_156 = arith.constant 9.99999993E-9 : f32
    %add3A_157 = arith.addf %squeeze3A_148, %add3A_156 : f32
    %div3A_158 = arith.divf %add3A_155, %add3A_157 : f32
    %mul3A_159 = arith.constant 2.000000e+00 : f32
    %mul3A_160 = arith.mulf %mul3A_159, %div3A_153 : f32
    %mul3A_161 = arith.mulf %mul3A_160, %div3A_158 : f32
    %add3A_162 = arith.addf %div3A_153, %div3A_158 : f32
    %div3A_163 = arith.divf %mul3A_161, %add3A_162 : f32
    %add3A_164 = arith.constant 9.99999993E-9 : f32
    %add3A_165 = arith.addf %squeeze3A_144, %add3A_164 : f32
    %add3A_166 = arith.addf %squeeze3A_146, %squeeze3A_148 : f32
    %sub3A_167 = arith.subf %add3A_166, %squeeze3A_144 : f32
    %add3A_168 = arith.constant 9.99999993E-9 : f32
    %add3A_169 = arith.addf %sub3A_167, %add3A_168 : f32
    %div3A_170 = arith.divf %add3A_165, %add3A_169 : f32
    %add3A_171 = arith.addf %add3A_139, %div3A_153 : f32
    %add3A_172 = arith.addf %add3A_140, %div3A_158 : f32
    %add3A_173 = arith.addf %add3A_141, %div3A_163 : f32
    %add3A_174 = arith.addf %add3A_142, %div3A_170 : f32
    %slice3A_175 = vector.extract_strided_slice %get3A_15 {offsets = [3, 0, 0], sizes = [1, 1, 1], strides = [1, 1, 1]} : vector<6x1x128xf32> to vector<1x1x1xf32>
    %squeeze3A_176 = vector.extract %slice3A_175[0, 0, 0] : f32 from vector<1x1x1xf32>
    %slice3A_177 = vector.extract_strided_slice %get3A_15 {offsets = [3, 0, 1], sizes = [1, 1, 1], strides = [1, 1, 1]} : vector<6x1x128xf32> to vector<1x1x1xf32>
    %squeeze3A_178 = vector.extract %slice3A_177[0, 0, 0] : f32 from vector<1x1x1xf32>
    %slice3A_179 = vector.extract_strided_slice %get3A_15 {offsets = [3, 0, 2], sizes = [1, 1, 1], strides = [1, 1, 1]} : vector<6x1x128xf32> to vector<1x1x1xf32>
    %squeeze3A_180 = vector.extract %slice3A_179[0, 0, 0] : f32 from vector<1x1x1xf32>
    %add3A_181 = arith.constant 9.99999993E-9 : f32
    %add3A_182 = arith.addf %squeeze3A_176, %add3A_181 : f32
    %add3A_183 = arith.constant 9.99999993E-9 : f32
    %add3A_184 = arith.addf %squeeze3A_178, %add3A_183 : f32
    %div3A_185 = arith.divf %add3A_182, %add3A_184 : f32
    %add3A_186 = arith.constant 9.99999993E-9 : f32
    %add3A_187 = arith.addf %squeeze3A_176, %add3A_186 : f32
    %add3A_188 = arith.constant 9.99999993E-9 : f32
    %add3A_189 = arith.addf %squeeze3A_180, %add3A_188 : f32
    %div3A_190 = arith.divf %add3A_187, %add3A_189 : f32
    %mul3A_191 = arith.constant 2.000000e+00 : f32
    %mul3A_192 = arith.mulf %mul3A_191, %div3A_185 : f32
    %mul3A_193 = arith.mulf %mul3A_192, %div3A_190 : f32
    %add3A_194 = arith.addf %div3A_185, %div3A_190 : f32
    %div3A_195 = arith.divf %mul3A_193, %add3A_194 : f32
    %add3A_196 = arith.constant 9.99999993E-9 : f32
    %add3A_197 = arith.addf %squeeze3A_176, %add3A_196 : f32
    %add3A_198 = arith.addf %squeeze3A_178, %squeeze3A_180 : f32
    %sub3A_199 = arith.subf %add3A_198, %squeeze3A_176 : f32
    %add3A_200 = arith.constant 9.99999993E-9 : f32
    %add3A_201 = arith.addf %sub3A_199, %add3A_200 : f32
    %div3A_202 = arith.divf %add3A_197, %add3A_201 : f32
    %add3A_203 = arith.addf %add3A_171, %div3A_185 : f32
    %add3A_204 = arith.addf %add3A_172, %div3A_190 : f32
    %add3A_205 = arith.addf %add3A_173, %div3A_195 : f32
    %add3A_206 = arith.addf %add3A_174, %div3A_202 : f32
    %slice3A_207 = vector.extract_strided_slice %get3A_15 {offsets = [4, 0, 0], sizes = [1, 1, 1], strides = [1, 1, 1]} : vector<6x1x128xf32> to vector<1x1x1xf32>
    %squeeze3A_208 = vector.extract %slice3A_207[0, 0, 0] : f32 from vector<1x1x1xf32>
    %slice3A_209 = vector.extract_strided_slice %get3A_15 {offsets = [4, 0, 1], sizes = [1, 1, 1], strides = [1, 1, 1]} : vector<6x1x128xf32> to vector<1x1x1xf32>
    %squeeze3A_210 = vector.extract %slice3A_209[0, 0, 0] : f32 from vector<1x1x1xf32>
    %slice3A_211 = vector.extract_strided_slice %get3A_15 {offsets = [4, 0, 2], sizes = [1, 1, 1], strides = [1, 1, 1]} : vector<6x1x128xf32> to vector<1x1x1xf32>
    %squeeze3A_212 = vector.extract %slice3A_211[0, 0, 0] : f32 from vector<1x1x1xf32>
    %add3A_213 = arith.constant 9.99999993E-9 : f32
    %add3A_214 = arith.addf %squeeze3A_208, %add3A_213 : f32
    %add3A_215 = arith.constant 9.99999993E-9 : f32
    %add3A_216 = arith.addf %squeeze3A_210, %add3A_215 : f32
    %div3A_217 = arith.divf %add3A_214, %add3A_216 : f32
    %add3A_218 = arith.constant 9.99999993E-9 : f32
    %add3A_219 = arith.addf %squeeze3A_208, %add3A_218 : f32
    %add3A_220 = arith.constant 9.99999993E-9 : f32
    %add3A_221 = arith.addf %squeeze3A_212, %add3A_220 : f32
    %div3A_222 = arith.divf %add3A_219, %add3A_221 : f32
    %mul3A_223 = arith.constant 2.000000e+00 : f32
    %mul3A_224 = arith.mulf %mul3A_223, %div3A_217 : f32
    %mul3A_225 = arith.mulf %mul3A_224, %div3A_222 : f32
    %add3A_226 = arith.addf %div3A_217, %div3A_222 : f32
    %div3A_227 = arith.divf %mul3A_225, %add3A_226 : f32
    %add3A_228 = arith.constant 9.99999993E-9 : f32
    %add3A_229 = arith.addf %squeeze3A_208, %add3A_228 : f32
    %add3A_230 = arith.addf %squeeze3A_210, %squeeze3A_212 : f32
    %sub3A_231 = arith.subf %add3A_230, %squeeze3A_208 : f32
    %add3A_232 = arith.constant 9.99999993E-9 : f32
    %add3A_233 = arith.addf %sub3A_231, %add3A_232 : f32
    %div3A_234 = arith.divf %add3A_229, %add3A_233 : f32
    %add3A_235 = arith.addf %add3A_203, %div3A_217 : f32
    %add3A_236 = arith.addf %add3A_204, %div3A_222 : f32
    %add3A_237 = arith.addf %add3A_205, %div3A_227 : f32
    %add3A_238 = arith.addf %add3A_206, %div3A_234 : f32
    %slice3A_239 = vector.extract_strided_slice %get3A_15 {offsets = [5, 0, 0], sizes = [1, 1, 1], strides = [1, 1, 1]} : vector<6x1x128xf32> to vector<1x1x1xf32>
    %squeeze3A_240 = vector.extract %slice3A_239[0, 0, 0] : f32 from vector<1x1x1xf32>
    %slice3A_241 = vector.extract_strided_slice %get3A_15 {offsets = [5, 0, 1], sizes = [1, 1, 1], strides = [1, 1, 1]} : vector<6x1x128xf32> to vector<1x1x1xf32>
    %squeeze3A_242 = vector.extract %slice3A_241[0, 0, 0] : f32 from vector<1x1x1xf32>
    %slice3A_243 = vector.extract_strided_slice %get3A_15 {offsets = [5, 0, 2], sizes = [1, 1, 1], strides = [1, 1, 1]} : vector<6x1x128xf32> to vector<1x1x1xf32>
    %squeeze3A_244 = vector.extract %slice3A_243[0, 0, 0] : f32 from vector<1x1x1xf32>
    %add3A_245 = arith.constant 9.99999993E-9 : f32
    %add3A_246 = arith.addf %squeeze3A_240, %add3A_245 : f32
    %add3A_247 = arith.constant 9.99999993E-9 : f32
    %add3A_248 = arith.addf %squeeze3A_242, %add3A_247 : f32
    %div3A_249 = arith.divf %add3A_246, %add3A_248 : f32
    %add3A_250 = arith.constant 9.99999993E-9 : f32
    %add3A_251 = arith.addf %squeeze3A_240, %add3A_250 : f32
    %add3A_252 = arith.constant 9.99999993E-9 : f32
    %add3A_253 = arith.addf %squeeze3A_244, %add3A_252 : f32
    %div3A_254 = arith.divf %add3A_251, %add3A_253 : f32
    %mul3A_255 = arith.constant 2.000000e+00 : f32
    %mul3A_256 = arith.mulf %mul3A_255, %div3A_249 : f32
    %mul3A_257 = arith.mulf %mul3A_256, %div3A_254 : f32
    %add3A_258 = arith.addf %div3A_249, %div3A_254 : f32
    %div3A_259 = arith.divf %mul3A_257, %add3A_258 : f32
    %add3A_260 = arith.constant 9.99999993E-9 : f32
    %add3A_261 = arith.addf %squeeze3A_240, %add3A_260 : f32
    %add3A_262 = arith.addf %squeeze3A_242, %squeeze3A_244 : f32
    %sub3A_263 = arith.subf %add3A_262, %squeeze3A_240 : f32
    %add3A_264 = arith.constant 9.99999993E-9 : f32
    %add3A_265 = arith.addf %sub3A_263, %add3A_264 : f32
    %div3A_266 = arith.divf %add3A_261, %add3A_265 : f32
    %add3A_267 = arith.addf %add3A_235, %div3A_249 : f32
    %add3A_268 = arith.addf %add3A_236, %div3A_254 : f32
    %add3A_269 = arith.addf %add3A_237, %div3A_259 : f32
    %add3A_270 = arith.addf %add3A_238, %div3A_266 : f32
    %iota3A = tpu.iota {dimensions = array<i32: 1>} : vector<1x4xi32>
    %iota3A_271 = vector.shape_cast %iota3A : vector<1x4xi32> to vector<4xi32>
    %eq3A = arith.constant 0 : i32
    %eq3A_272 = vector.broadcast %eq3A : i32 to vector<4xi32>
    %eq3A_273 = arith.cmpi eq, %iota3A_271, %eq3A_272 : vector<4xi32>
    %mul3A_274 = arith.constant 1.250000e-01 : f32
    %mul3A_275 = arith.mulf %add3A_267, %mul3A_274 : f32
    %eq3A_276 = arith.constant 1 : i32
    %eq3A_277 = vector.broadcast %eq3A_276 : i32 to vector<4xi32>
    %eq3A_278 = arith.cmpi eq, %iota3A_271, %eq3A_277 : vector<4xi32>
    %mul3A_279 = arith.constant 1.250000e-01 : f32
    %mul3A_280 = arith.mulf %add3A_268, %mul3A_279 : f32
    %eq3A_281 = arith.constant 2 : i32
    %eq3A_282 = vector.broadcast %eq3A_281 : i32 to vector<4xi32>
    %eq3A_283 = arith.cmpi eq, %iota3A_271, %eq3A_282 : vector<4xi32>
    %mul3A_284 = arith.constant 1.250000e-01 : f32
    %mul3A_285 = arith.mulf %add3A_269, %mul3A_284 : f32
    %mul3A_286 = arith.constant 1.250000e-01 : f32
    %mul3A_287 = arith.mulf %add3A_270, %mul3A_286 : f32
    %broadcast_in_dim3A = vector.broadcast %mul3A_285 : f32 to vector<4xf32>
    %broadcast_in_dim3A_288 = vector.broadcast %mul3A_287 : f32 to vector<4xf32>
    %select_n3A = arith.select %eq3A_283, %broadcast_in_dim3A, %broadcast_in_dim3A_288 : vector<4xi1>, vector<4xf32>
    %broadcast_in_dim3A_289 = vector.broadcast %mul3A_280 : f32 to vector<4xf32>
    %select_n3A_290 = arith.select %eq3A_278, %broadcast_in_dim3A_289, %select_n3A : vector<4xi1>, vector<4xf32>
    %broadcast_in_dim3A_291 = vector.broadcast %mul3A_275 : f32 to vector<4xf32>
    %select_n3A_292 = arith.select %eq3A_273, %broadcast_in_dim3A_291, %select_n3A_290 : vector<4xi1>, vector<4xf32>
    %swap3A = arith.constant 0 : index
    %swap3A_293 = vector.load %arg2[%swap3A] : memref<4xf32, #tpu.memory_space<vmem>>, vector<4xf32>
    tpu.vector_store %arg2[%swap3A], %select_n3A_292 {strides = array<i32>} : memref<4xf32, #tpu.memory_space<vmem>>, vector<4xf32>,
    return
  }
}

module attributes {stable_mosaic.version = 14 : i64} {
  func.func @_tc_reduce(%arg0: i32, %arg1: i32, %arg2: memref<1x1x512x512xf32, #tpu.memory_space<vmem>>, %arg3: memref<1x512x512xi32, #tpu.memory_space<vmem>>, %arg4: memref<1x1x128xf32, #tpu.memory_space<vmem>>) attributes {dimension_semantics = [#tpu.dimension_semantics<arbitrary>, #tpu.dimension_semantics<arbitrary>], iteration_bounds = array<i64: 6, 1>, scalar_prefetch = 0 : i64, scratch_operands = 0 : i64, tpu.core_type = #tpu.core_type<tc>, window_params = [{transform_indices = @transform_0, window_bounds = array<i64: 1, 1, 512, 512>}, {transform_indices = @transform_1, window_bounds = array<i64: 1, 512, 512>}, {transform_indices = @transform_2, window_bounds = array<i64: 1, 1, 128>}]} {
    %get3A = arith.constant 0 : index
    %get3A_0 = arith.constant 0 : index
    %get3A_1 = arith.constant 0 : index
    %get3A_2 = arith.constant 0 : index
    %get3A_3 = vector.load %arg2[%get3A, %get3A_0, %get3A_1, %get3A_2] : memref<1x1x512x512xf32, #tpu.memory_space<vmem>>, vector<1x1x512x512xf32>
    %get3A_4 = vector.shape_cast %get3A_3 : vector<1x1x512x512xf32> to vector<512x512xf32>
    %gt3A = arith.constant 0.000000e+00 : f32
    %gt3A_5 = vector.broadcast %gt3A : f32 to vector<512x512xf32>
    %gt3A_6 = arith.cmpf ogt, %get3A_4, %gt3A_5 : vector<512x512xf32>
    %convert_element_type3A = arith.extui %gt3A_6 : vector<512x512xi1> to vector<512x512xi32>
    %convert_element_type3A_7 = arith.sitofp %convert_element_type3A : vector<512x512xi32> to vector<512x512xf32>
    %get3A_8 = arith.constant 0 : index
    %get3A_9 = arith.constant 0 : index
    %get3A_10 = arith.constant 0 : index
    %get3A_11 = vector.load %arg3[%get3A_8, %get3A_9, %get3A_10] : memref<1x512x512xi32, #tpu.memory_space<vmem>>, vector<1x512x512xi32>
    %get3A_12 = vector.shape_cast %get3A_11 : vector<1x512x512xi32> to vector<512x512xi32>
    %convert_element_type3A_13 = arith.sitofp %get3A_12 : vector<512x512xi32> to vector<512x512xf32>
    %mul3A = arith.mulf %convert_element_type3A_7, %convert_element_type3A_13 : vector<512x512xf32>
    %reduce_sum3A = vector.shape_cast %mul3A : vector<512x512xf32> to vector<1x512x512xf32>
    %reduce_sum3A_14 = arith.constant dense<0.000000e+00> : vector<1xf32>
    %reduce_sum3A_15 = vector.multi_reduction <add>, %reduce_sum3A, %reduce_sum3A_14 [1, 2] : vector<1x512x512xf32> to vector<1xf32>
    %reduce_sum3A_16 = vector.shape_cast %reduce_sum3A_15 : vector<1xf32> to vector<1x1x1xf32>
    %reduce_sum3A_17 = vector.extract %reduce_sum3A_16[0, 0, 0] : f32 from vector<1x1x1xf32>
    %reduce_sum3A_18 = vector.shape_cast %convert_element_type3A_7 : vector<512x512xf32> to vector<1x512x512xf32>
    %reduce_sum3A_19 = arith.constant dense<0.000000e+00> : vector<1xf32>
    %reduce_sum3A_20 = vector.multi_reduction <add>, %reduce_sum3A_18, %reduce_sum3A_19 [1, 2] : vector<1x512x512xf32> to vector<1xf32>
    %reduce_sum3A_21 = vector.shape_cast %reduce_sum3A_20 : vector<1xf32> to vector<1x1x1xf32>
    %reduce_sum3A_22 = vector.extract %reduce_sum3A_21[0, 0, 0] : f32 from vector<1x1x1xf32>
    %reduce_sum3A_23 = vector.shape_cast %convert_element_type3A_13 : vector<512x512xf32> to vector<1x512x512xf32>
    %reduce_sum3A_24 = arith.constant dense<0.000000e+00> : vector<1xf32>
    %reduce_sum3A_25 = vector.multi_reduction <add>, %reduce_sum3A_23, %reduce_sum3A_24 [1, 2] : vector<1x512x512xf32> to vector<1xf32>
    %reduce_sum3A_26 = vector.shape_cast %reduce_sum3A_25 : vector<1xf32> to vector<1x1x1xf32>
    %reduce_sum3A_27 = vector.extract %reduce_sum3A_26[0, 0, 0] : f32 from vector<1x1x1xf32>
    %iota3A = tpu.iota {dimensions = array<i32: 2>} : vector<1x1x128xi32>
    %eq3A = arith.constant 0 : i32
    %eq3A_28 = vector.broadcast %eq3A : i32 to vector<1x1x128xi32>
    %eq3A_29 = arith.cmpi eq, %iota3A, %eq3A_28 : vector<1x1x128xi32>
    %eq3A_30 = arith.constant 1 : i32
    %eq3A_31 = vector.broadcast %eq3A_30 : i32 to vector<1x1x128xi32>
    %eq3A_32 = arith.cmpi eq, %iota3A, %eq3A_31 : vector<1x1x128xi32>
    %eq3A_33 = arith.constant 2 : i32
    %eq3A_34 = vector.broadcast %eq3A_33 : i32 to vector<1x1x128xi32>
    %eq3A_35 = arith.cmpi eq, %iota3A, %eq3A_34 : vector<1x1x128xi32>
    %jit3A = arith.constant 0.000000e+00 : f32
    %broadcast_in_dim3A = vector.broadcast %reduce_sum3A_27 : f32 to vector<1x1x128xf32>
    %broadcast_in_dim3A_36 = vector.broadcast %jit3A : f32 to vector<1x1x128xf32>
    %select_n3A = arith.select %eq3A_35, %broadcast_in_dim3A, %broadcast_in_dim3A_36 : vector<1x1x128xi1>, vector<1x1x128xf32>
    %broadcast_in_dim3A_37 = vector.broadcast %reduce_sum3A_22 : f32 to vector<1x1x128xf32>
    %select_n3A_38 = arith.select %eq3A_32, %broadcast_in_dim3A_37, %select_n3A : vector<1x1x128xi1>, vector<1x1x128xf32>
    %broadcast_in_dim3A_39 = vector.broadcast %reduce_sum3A_17 : f32 to vector<1x1x128xf32>
    %select_n3A_40 = arith.select %eq3A_29, %broadcast_in_dim3A_39, %select_n3A_38 : vector<1x1x128xi1>, vector<1x1x128xf32>
    %eq3A_41 = arith.constant 0 : i32
    %eq3A_42 = arith.cmpi eq, %arg1, %eq3A_41 : i32
    %convert_element_type3A_43 = arith.extui %eq3A_42 : i1 to i32
    %cond3A = arith.constant 0 : i32
    %cond3A_44 = arith.cmpi ne, %convert_element_type3A_43, %cond3A : i32
    scf.if %cond3A_44 {
      %swap3A = arith.constant 0 : index
      %swap3A_49 = arith.constant 0 : index
      %swap3A_50 = arith.constant 0 : index
      %swap3A_51 = vector.load %arg4[%swap3A, %swap3A_49, %swap3A_50] : memref<1x1x128xf32, #tpu.memory_space<vmem>>, vector<1x1x128xf32>
      tpu.vector_store %arg4[%swap3A, %swap3A_49, %swap3A_50], %select_n3A_40 {strides = array<i32>} : memref<1x1x128xf32, #tpu.memory_space<vmem>>, vector<1x1x128xf32>,
    } else {
    }
    %ne3A = arith.constant 0 : i32
    %ne3A_45 = arith.cmpi ne, %arg1, %ne3A : i32
    %convert_element_type3A_46 = arith.extui %ne3A_45 : i1 to i32
    %cond3A_47 = arith.constant 0 : i32
    %cond3A_48 = arith.cmpi ne, %convert_element_type3A_46, %cond3A_47 : i32
    scf.if %cond3A_48 {
      %get3A_49 = arith.constant 0 : index
      %get3A_50 = arith.constant 0 : index
      %get3A_51 = arith.constant 0 : index
      %get3A_52 = vector.load %arg4[%get3A_49, %get3A_50, %get3A_51] : memref<1x1x128xf32, #tpu.memory_space<vmem>>, vector<1x1x128xf32>
      %add3A = arith.addf %get3A_52, %select_n3A_40 : vector<1x1x128xf32>
      %swap3A = arith.constant 0 : index
      %swap3A_53 = arith.constant 0 : index
      %swap3A_54 = arith.constant 0 : index
      %swap3A_55 = vector.load %arg4[%swap3A, %swap3A_53, %swap3A_54] : memref<1x1x128xf32, #tpu.memory_space<vmem>>, vector<1x1x128xf32>
      tpu.vector_store %arg4[%swap3A, %swap3A_53, %swap3A_54], %add3A {strides = array<i32>} : memref<1x1x128xf32, #tpu.memory_space<vmem>>, vector<1x1x128xf32>,
    } else {
    }
    return
  }
  func.func @transform_0(%arg0: i32, %arg1: i32) -> (i32, i32, i32, i32) {
    %add3A = arith.constant 2 : i32
    %add3A_0 = arith.addi %add3A, %arg0 : i32
    %c0_i32 = arith.constant 0 : i32
    %c0_i32_1 = arith.constant 0 : i32
    %c0_i32_2 = arith.constant 0 : i32
    return %add3A_0, %c0_i32, %arg1, %c0_i32_1 : i32, i32, i32, i32
  }
  func.func @transform_1(%arg0: i32, %arg1: i32) -> (i32, i32, i32) {
    %add3A = arith.constant 2 : i32
    %add3A_0 = arith.addi %add3A, %arg0 : i32
    %c0_i32 = arith.constant 0 : i32
    %c0_i32_1 = arith.constant 0 : i32
    return %add3A_0, %arg1, %c0_i32 : i32, i32, i32
  }
  func.func @transform_2(%arg0: i32, %arg1: i32) -> (i32, i32, i32) {
    %c0_i32 = arith.constant 0 : i32
    %c0_i32_0 = arith.constant 0 : i32
    %c0_i32_1 = arith.constant 0 : i32
    return %arg0, %c0_i32, %c0_i32_0 : i32, i32, i32
  }
}

</mosaic_0001>

<sc_bundles>
// kernel: kernel.5.cloned.1.call-start
scs
__scs_entry_jumppad:
0x0: {  	(pc) =	sbr.rel $0x88, $3  }
0x1: {  	(tag) =	ssettag $0x0;
	lr =	simm.s32 $0x1  }
0x2: {  	[smem:$0x3F9F] =	sst lr;
	_ =	strace $0xD0000000  }
0x3: {  	_ = 	snop  }
0x4: {  	_ = 	snop  }
0x5: {  	_ = 	snop  }
0x6: {  	_ = 	snop  }
0x7: {  	_ = 	snop  }
__scs_overlays_trampoline_lowered:
0x8: {  	[smem:$0x3FAE] =	sst s0  }
0x9: {  	[smem:$0x3FAF] =	sst s1  }
0xa: {  	[smem:$0x3FB0] =	sst s2  }
0xb: {  	[smem:$0x3FB1] =	sst s3  }
0xc: {  	[smem:$0x3FB2] =	sst s4  }
0xd: {  	[smem:$0x3FB3] =	sst s5  }
0xe: {  	[smem:$0x3FB4] =	sst s6  }
0xf: {  	[smem:$0x3FB5] =	sst s7  }
0x10: {  	[smem:$0x3FB6] =	sst s8  }
0x11: {  	[smem:$0x3FB7] =	sst s9;
	s0 =	simm.s32 @!p0 $0x0  }
0x12: {  	s1 =	sld [smem:$0x3F9D];
	s0 =	simm.s32 @p0 $0x1  }
0x13: {  	[smem:$0x3FB8] =	sst s0;
	s0 =	simm.s32 @!p1 $0x0  }
0x14: {  	s2 =	sld [smem:$0x3F9C];
	s0 =	simm.s32 @p1 $0x1  }
0x15: {  	[smem:$0x3FB9] =	sst s0;
	s0 =	simm.s32 @!p2 $0x0  }
0x16: {  	s3 =	sld [smem:$0x3FDB];
	s0 =	simm.s32 @p2 $0x1  }
0x17: {  	s4 =	simm.s32 $0x1BF5;
	[smem:$0x3FBB] =	sst s0  }
0x18: {  	s0 =	sld [smem:$0x3F9E];
	_ =	swait.ge [sflag:s4], $0x0  }
0x19: {  	s7 =	sld [smem:$0x3F9F]  }
0x1a: {  	s8 =	sadd.s32 $0xFFFFE003, lr  }
0x1b: {  	s9 =	sadd.s32 $0xFFFFFEF7, lr;
	s5 =	simm.s32 $0xFFFFFFFF;
	p2 =	slt.u32 s8, $0xFFFFF086  }
0x1c: {  	p1 =	slt.u32 s9, $0xF7A;
	s5 =	simm.s32 @!p2 $0x0  }
0x1d: {  	s5 =	simm.s32 @p1 $0x1;
	p0 =	seq.s32 s7, s2  }
0x1e: {  	s7 =	smul.u32 @!p0 $0xF7A, s2;
	p2 =	seq.s32 @!p0 s5, $0x0  }
0x1f: {  	s9 =	smul.u32 $0xF7A, s1;
	s8 =	simm.s32 @!p0 $0x1BF5;
	p2 =	por !p2, p0  }
0x20: {  	[sflag:s8] =	ssyncset.s32 @!p0 $0xFFFFF086;
	s6 =	sadd.s32 @!p0 s3, s7;
	s7 =	simm.s32 @!p0 $0x108  }
0x21: {  	s3 =	sadd.s32 s3, s9;
	s6 =	sadd.s32 @!p0 $0x88, s6;
	s7 =	simm.s32 @p2 $0x1082  }
0x22: {  	[simem:s7], [sflag:s8] =	dma.local @!p0 [hbm:s6], $0xF7A  }
0x23: {  	s9 =	sor.u32 $0xD0000000, s2;
	s6 =	simm.s32 $0x108;
	_ =	swait.ge @!p0 [sflag:s8], $0x0  }
0x24: {  	s3 =	sadd.s32 $0x88, s3;
	s6 =	simm.s32 @!p1 $0x1082;
	[sflag:s4] =	ssyncset.s32 $0xFFFFF086  }
0x25: {  	[simem:s6], [sflag:s4] =	dma.local [hbm:s3], $0xF7A  }
0x26: {  	[smem:$0x3F9F] =	sst s1;
	(tag) =	ssettag s2;
	_ =	strace s9  }
0x27: {  	s1 =	sld [smem:$0x3FAF]  }
0x28: {  	s2 =	sld [smem:$0x3FB0]  }
0x29: {  	s4 =	sld [smem:$0x3FB2]  }
0x2a: {  	p0 =	seq.s32 s5, $0x0;
	s5 =	sld [smem:$0x3FB3]  }
0x2b: {  	s6 =	sld [smem:$0x3FB4]  }
0x2c: {  	s7 =	sld [smem:$0x3FB5]  }
0x2d: {  	s3 =	simm.s32 $0x108;
	s8 =	sld [smem:$0x3FB6]  }
0x2e: {  	s3 =	simm.s32 @!p0 $0x1082;
	s9 =	sld [smem:$0x3FB7]  }
0x2f: {  	lr =	sadd.s32 s0, s3;
	s0 =	sld [smem:$0x3FAE]  }
0x30: {  	s3 =	sld [smem:$0x3FB1]  }
0x31: {  	[smem:$0x3FBA] =	sst s10  }
0x32: {  	s10 =	sld [smem:$0x3FB8];
	_ =	sdelay $0x3  }
0x33: {  	p0 =	seq.s32 s10, $0x1;
	s10 =	sld [smem:$0x3FBA];
	_ =	sdelay $0x3  }
0x34: {  	[smem:$0x3FBA] =	sst s10  }
0x35: {  	s10 =	sld [smem:$0x3FB9];
	_ =	sdelay $0x3  }
0x36: {  	p1 =	seq.s32 s10, $0x1;
	s10 =	sld [smem:$0x3FBA];
	_ =	sdelay $0x3  }
0x37: {  	[smem:$0x3FBA] =	sst s10  }
0x38: {  	s10 =	sld [smem:$0x3FBB]  }
0x39: {  	_ = 	snop;
	(pc) =	sbr.ind lr, $3  }
0x3a: {  	_ = 	snop  }
0x3b: {  	_ = 	snop  }
0x3c: {  	p2 =	seq.s32 s10, $0x1;
	s10 =	sld [smem:$0x3FBA]  }
0x3d: {  	_ =	shalt  }
0x3e: {  	_ =	shalt  }
0x3f: {  	_ =	shalt  }
0x40: {  	_ =	shalt  }
0x41: {  	_ =	shalt  }
0x42: {  	_ =	shalt  }
0x43: {  	_ =	shalt  }
0x44: {  	_ =	shalt  }
0x45: {  	_ =	shalt  }
0x46: {  	_ =	shalt  }
0x47: {  	_ =	shalt  }
0x48: {  	_ =	shalt  }
0x49: {  	_ =	shalt  }
0x4a: {  	_ =	shalt  }
0x4b: {  	_ =	shalt  }
0x4c: {  	_ =	shalt  }
0x4d: {  	_ =	shalt  }
0x4e: {  	_ =	shalt  }
0x4f: {  	_ =	shalt  }
0x50: {  	_ =	shalt  }
0x51: {  	_ =	shalt  }
0x52: {  	_ =	shalt  }
0x53: {  	_ =	shalt  }
0x54: {  	_ =	shalt  }
0x55: {  	_ =	shalt  }
0x56: {  	_ =	shalt  }
0x57: {  	_ =	shalt  }
0x58: {  	_ =	shalt  }
0x59: {  	_ =	shalt  }
0x5a: {  	_ =	shalt  }
0x5b: {  	_ =	shalt  }
0x5c: {  	_ =	shalt  }
0x5d: {  	_ =	shalt  }
0x5e: {  	_ =	shalt  }
0x5f: {  	_ =	shalt  }
0x60: {  	_ =	shalt  }
0x61: {  	_ =	shalt  }
0x62: {  	_ =	shalt  }
0x63: {  	_ =	shalt  }
0x64: {  	_ =	shalt  }
0x65: {  	_ =	shalt  }
0x66: {  	_ =	shalt  }
0x67: {  	_ =	shalt  }
0x68: {  	_ =	shalt  }
0x69: {  	_ =	shalt  }
0x6a: {  	_ =	shalt  }
0x6b: {  	_ =	shalt  }
0x6c: {  	_ =	shalt  }
0x6d: {  	_ =	shalt  }
0x6e: {  	_ =	shalt  }
0x6f: {  	_ =	shalt  }
0x70: {  	_ =	shalt  }
0x71: {  	_ =	shalt  }
0x72: {  	_ =	shalt  }
0x73: {  	_ =	shalt  }
0x74: {  	_ =	shalt  }
0x75: {  	_ =	shalt  }
0x76: {  	_ =	shalt  }
0x77: {  	_ =	shalt  }
0x78: {  	_ =	shalt  }
0x79: {  	_ =	shalt  }
0x7a: {  	_ =	shalt  }
0x7b: {  	_ =	shalt  }
0x7c: {  	_ =	shalt  }
0x7d: {  	_ =	shalt  }
0x7e: {  	_ =	shalt  }
0x7f: {  	_ =	shalt  }
0x80: {  	_ =	shalt  }
0x81: {  	_ =	shalt  }
0x82: {  	_ =	shalt  }
0x83: {  	_ =	shalt  }
0x84: {  	_ =	shalt  }
0x85: {  	_ =	shalt  }
0x86: {  	_ =	shalt  }
0x87: {  	_ =	shalt  }
.Lfunc_end0:
.L_simem_size_0:
called_computation_lowered:
.L_overlay_start_0:
0x88: {  	s2 =	sld [smem:$0x3FD9]  }
0x89: {  	s3 =	sld [smem:$0x3FFE];
	_ =	sdelay $0x1  }
0x8a: {  	s1 =	srdreg.scid  }
0x8b: {  	s0 =	sand.u32 $0x1, s1  }
0x8c: {  	s17 =	sshll.u32 s0, $0xA;
	s2 =	sadd.s32 s3, s2  }
0x8d: {  	s2 =	sadd.s32 s2, s17  }
0x8e: {  	[smem:$0x3FC6] =	sst s2  }
0x8f: {  	_ = 	snop  }
0x90: {  	s2 =	sld [smem:$0x3FC9]  }
0x91: {  	s18 =	sld [smem:$0x3FC8];
	(tm) =	ssettm $0x1  }
0x92: {  	s4 =	sld [smem:$0x3FFB];
	_ =	sdelay $0x3  }
0x93: {  	_ =	strace s4  }
0x94: {  	s4 =	sld [smem:$0x3FFC];
	_ =	sdelay $0x3  }
0x95: {  	_ =	strace s4  }
0x96: {  	s4 =	sld [smem:$0x3FFD];
	_ =	sdelay $0x3  }
0x97: {  	_ =	strace s4  }
0x98: {  	_ =	strace $0x8FFFFFFF  }
0x99: {  	s19 =	sld [smem:$0x3FDB];
	_ =	sdelay $0x1  }
0x9a: {  	s5 =	simm.s32 $_scs_section_size  }
0x9b: {  	s6 =	simm.s32 $_size__tile_overlayer_lowered;
	s7 =	simm.s32 $_tile_overlayer_lowered  }
0x9c: {  	s22 =	simm.s32 $0x1BFF;
	s21 =	sshll.u32 s7, $0x1;
	s4 =	sadd.s32 s5, s19  }
0x9d: {  	s8 =	simm.s32 $0x0;
	s20 =	sshll.u32 s6, $0x1;
	s6 =	sadd.s32 s21, s4  }
0x9e: {  	[timem:s8], [sflag:s22] =	dma.local [hbm:s6], s20  }
0x9f: {  	_ =	swait.ge [sflag:s22], s20  }
0xa0: {  	s5 =	ssub.s32 $0x0, s20;
	[sflag:s22] =	ssyncset.done $0x0  }
0xa1: {  	[sflag:s22] =	ssyncadd.s32 s5;
	_ =	sdelay $0x1  }
0xa2: {  	s23 =	simm.s32 $0x1B8B  }
0xa3: {  	_ =	swait.ge [sflag:s23], $0x1  }
0xa4: {  	[sflag:s23] =	ssyncset.done $0x0  }
0xa5: {  	s25 =	simm.s32 $0x1B8E;
	s24 =	sld [smem:$0x3FFE];
	[sflag:s23] =	ssyncadd.s32 $0xFFFFFFFF  }
0xa6: {  	s26 =	simm.s32 $execute0_lowered;
	[smem:$0x3FD2] =	sst s25  }
0xa7: {  	s6 =	sshll.u32 s26, $0x1;
	_ =	strace $0x80000046;
	[dreg:$0x1] =	wrdreg $0xFFFFFFFF  }
0xa8: {  	s28 =	simm.s32 $_size_execute0_lowered;
	s4 =	sadd.s32 s4, s6;
	[dreg:$0x0] =	wrdreg $0x0  }
0xa9: {  	s6 =	sshll.u32 s28, $0x1;
	[dreg:$0x2] =	wrdreg s4  }
0xaa: {  	[dreg:$0x3] =	wrdreg s6  }
0xab: {  	[dreg:$0x4] =	wrdreg $0xC0  }
0xac: {  	_ =	task [dreg:s8], $0x5FFFF  }
0xad: {  	[dreg:$0x1] =	wrdreg $0xFFFFFFFF  }
0xae: {  	[dreg:$0x0] =	wrdreg $0x60  }
0xaf: {  	[dreg:$0x2] =	wrdreg s2  }
0xb0: {  	[dreg:$0x3] =	wrdreg s18  }
0xb1: {  	[dreg:$0x4] =	wrdreg s24  }
0xb2: {  	[dreg:$0x5] =	wrdreg $0x9  }
0xb3: {  	_ =	task.clear_ibuf [dreg:s8], $0x6FFFF;
	_ =	strace $0x90000046  }
0xb4: {  	s29 =	simm.s32 $0x9;
	_ =	strace $0x80000048  }
0xb5: {  	_ =	swait.ge [sflag:s29], $0x1  }
0xb6: {  	[sflag:s29] =	ssyncadd.s32 $0xFFFFFFFF  }
0xb7: {  	_ =	strace $0x90000048  }
0xb8: {  	_ =	sfence  }
0xb9: {  	s30 =	sld [smem:$0x0];
	_ =	sdelay $0x2  }
0xba: {  	s31 =	sshll.u32 s1, $0xD;
	s1 =	sshrl.u32 s1, $0x2  }
0xbb: {  	s3 =	sand.u32 $0x4000, s31;
	s1 =	sadd.s32 s1, s30  }
0xbc: {  	s0 =	sor.u32 s3, s0;
	s1 =	sshll.u32 s1, $0x11  }
0xbd: {  	s0 =	sor.u32 s1, s0  }
0xbe: {  	s0 =	sadd.s32 $0x8F2B, s0  }
0xbf: {  	[sflag:s0] =	ssyncadd.remote.s32 $0x1  }
0xc0: {  	_ =	sfence.sel $0xFFFF  }
0xc1: {  	[dreg:$0x0] =	wrdreg $0xFFFFFFFF;
	(pc) =	sbr.abs _section_cstart, $3  }
0xc2: {  	[dreg:$0x1] =	wrdreg $0xFFFFFFFF  }
0xc3: {  	_ =	task.clear_ibuf [dreg:s8], $0x2FFFF;
	_ =	strace $0x9FFFFFFF  }
0xc4: {  	(tm) =	ssettm $0x7FFFFFFF  }
0xc5: {  	_ =	shalt  }
tec
execute0_lowered:
.L_overlay_start_1:
0x0: {  	(tag) =	ssettag $0x1  }
0x1: {  	s5 =	rddreg [dreg:$0x0]  }
0x2: {  	s6 =	rddreg [dreg:$0x1]  }
0x3: {  	s3 =	rddreg [dreg:$0x2]  }
0x4: {  	s0 =	rddreg [dreg:$0x3];
	s4 =	srdreg.scid  }
0x5: {  	s1 =	stileid.u32;
	s2 =	simm.s32 $0x0;
	s11 =	simm.s32 $0x6000  }
0x6: {  	s12 =	simm.s32 $0x1;
	s13 =	simm.s32 $0x3;
	s14 =	simm.s32 $0x2  }
0x7: {  	s15 =	simm.s32 $0x4;
	s16 =	simm.s32 $0x8000;
	s17 =	simm.s32 $0x5  }
0x8: {  	s18 =	simm.s32 $0x0;
	s4 =	sand.u32 $0x1, s4;
	s7 =	sshll.u32 s1, $0x1  }
0x9: {  	[smem:$0x7FF] =	sst s2;
	s7 =	sor.u32 s4, s7;
	s4 =	ssub.s32 $0x2, s4  }
0xa: {  	_ =	strace $0x80000047;
	s8 =	sshll.u32 s7, $0x7;
	s31 =	sshrl.u32 s4, $0x1  }
0xb: {  	s7 =	sshll.u32 s7, $0xA;
	s8 =	sadd.s32 s8, s3;
	s9 =	ssub.s32 s4, s31  }
0xc: {  	s3 =	sadd.s32 s5, s7;
	s10 =	sor.u32 $0x8000, s7;
	s4 =	sadd.s32 s6, s7  }
0xd: {  	s5 =	sadd.s32 s5, s10;
	s6 =	sadd.s32 s6, s10;
	s7 =	sadd.s32 $0xA00, s8  }
0xe: {  	v0 =	vimm.s32 $0x0;
	s8 =	smax.u32 s9, $0x1;
	s9 =	simm.s32 $0x4000;
	s10 =	simm.s32 $0x2000  }
.LBB2_1:
0xf: {  	[tilespmem:s2], [sflag:$0x1] =	stream.linear.gather [hbm4b:s3+s2], $0x2000, $0x38;
	[tilespmem:$0x8400] =	vst v63  }
0x10: {  	_ = 	snop  }
0x11: {  	[tilespmem:s9], [sflag:$0x3] =	stream.linear.gather [hbm4b:s4+s2], $0x2000, $0x38;
	[tilespmem:$0x8400] =	vst v63  }
0x12: {  	_ = 	snop  }
0x13: {  	[tilespmem:s10], [sflag:$0x2] =	stream.linear.gather [hbm4b:s5+s2], $0x2000, $0x38;
	[tilespmem:$0x8400] =	vst v63  }
0x14: {  	_ = 	snop  }
0x15: {  	[tilespmem:s11], [sflag:$0x4] =	stream.linear.gather [hbm4b:s6+s2], $0x2000, $0x38;
	[tilespmem:$0x8400] =	vst v63  }
0x16: {  	_ =	swait.ge [sflag:s12], $0x2000  }
0x17: {  	[sflag:s12] =	ssyncset.done $0x0  }
0x18: {  	[sflag:s12] =	ssyncadd.s32 $0xFFFFE000  }
0x19: {  	_ =	swait.ge [sflag:s13], $0x2000  }
0x1a: {  	s19 =	sor.u32 s2, s2;
	[sflag:s13] =	ssyncset.done $0x0  }
0x1b: {  	s20 =	sor.u32 $0x1380, s19;
	[sflag:s13] =	ssyncadd.s32 $0xFFFFE000  }
0x1c: {  	s21 =	sand.u32 $0xFFFFFC00, s2;
	v4 =	vld [tilespmem:s20+$0x0]  }
0x1d: {  	s21 =	sadd.s32 $0x0, s21;
	s22 =	sor.u32 $0x380, s19;
	v9 =	vld [tilespmem:s20+$0x4000]  }
0x1e: {  	s31 =	sand.u32 $0x70, s2;
	s23 =	sand.u32 $0xC00, s2;
	s30 =	sor.u32 $0x1180, s21;
	v2 =	vld [tilespmem:s22+$0x0]  }
0x1f: {  	s19 =	sor.u32 s31, s23;
	v10 =	vld [tilespmem:s30+$0x4000]  }
0x20: {  	v5 =	vld [tilespmem:s19+$0x4200]  }
0x21: {  	s21 =	sor.u32 $0x180, s21;
	v6 =	vld [tilespmem:s22+$0x4000]  }
0x22: {  	v3 =	vld [tilespmem:s21+$0x4000]  }
0x23: {  	v7 =	vld [tilespmem:s30+$0x0]  }
0x24: {  	v12 =	vld [tilespmem:s21+$0x0]  }
0x25: {  	v14 =	vld [tilespmem:s19+$0x0]  }
0x26: {  	v20 =	vld [tilespmem:s19+$0x1100]  }
0x27: {  	v8 =	vld [tilespmem:s19+$0x200]  }
0x28: {  	v13 =	vld [tilespmem:s19+$0x1000]  }
0x29: {  	v24 =	vimm.s32 $0x0;
	v1 =	vld [tilespmem:s19+$0x5300]  }
0x2a: {  	v11 =	vld [tilespmem:s19+$0x4000];
	vm1 =	vgt.f32 v2, $0.0e+00;
	v15 =	vadd.s32 v0, v3;
	vm0 =	vgt.f32 v7, $0.0e+00  }
0x2b: {  	v32 =	vld [tilespmem:s19+$0x80];
	vm2 =	vgt.f32 v12, $0.0e+00;
	vm4 =	vgt.f32 v14, $0.0e+00;
	vm6 =	vgt.f32 v20, $0.0e+00  }
0x2c: {  	v28 =	vld [tilespmem:s19+$0x5000];
	v16 =	vsel vm1, $0x1, v0;
	v12 =	vnsel vm0, $0x0, v10;
	v17 =	vsel vm0, $0x1, v0  }
0x2d: {  	v31 =	vld [tilespmem:s19+$0x1200];
	v18 =	vnsel vm2, $0x0, v3;
	v19 =	vsel vm2, $0x1, v0;
	vm0 =	vgt.f32 v13, $0.0e+00  }
0x2e: {  	v7 =	vld [tilespmem:s19+$0x1300];
	v14 =	vadd.s32 v6, v15;
	v15 =	vsel vm4, $0x1, v0;
	v13 =	vadd.s32 v0, v18  }
0x2f: {  	v3 =	vld [tilespmem:s19+$0x5100];
	v18 =	vnsel vm1, $0x0, v6;
	vm1 =	vgt.f32 v4, $0.0e+00;
	v4 =	vadd.s32 v19, v0  }
0x30: {  	v19 =	vld [tilespmem:s19+$0x300];
	v23 =	vsel vm0, $0x1, v0;
	v10 =	vadd.s32 v10, v14;
	v29 =	vadd.s32 v15, v0  }
0x31: {  	v21 =	vnsel vm1, $0x0, v9;
	v22 =	vsel vm1, $0x1, v0;
	v4 =	vadd.s32 v16, v4;
	v16 =	vld [tilespmem:s19+$0x280]  }
0x32: {  	v13 =	vadd.s32 v18, v13;
	v18 =	vld [tilespmem:s19+$0x1280];
	v15 =	vadd.s32 v9, v10;
	v10 =	vimm.s32 $0x0  }
0x33: {  	v2 =	vld [tilespmem:s19+$0x5280];
	v9 =	vimm.s32 $0x0;
	v12 =	vadd.s32 v12, v13;
	v4 =	vadd.s32 v17, v4  }
0x34: {  	v13 =	vld [tilespmem:s19+$0x1080];
	vm3 =	vgt.f32 v7, $0.0e+00;
	v4 =	vadd.s32 v22, v4;
	v6 =	vadd.s32 v21, v12  }
0x35: {  	v25 =	vld [tilespmem:s19+$0x4280];
	v21 =	vsel vm6, $0x1, v0;
	v22 =	vimm.s32 $0x0;
	v17 =	vnsel vm6, $0x0, v3  }
0x36: {  	v27 =	vld [tilespmem:s19+$0x5080];
	v12 =	vsel vm3, $0x1, v0;
	v14 =	vnsel vm3, $0x0, v1;
	vm1 =	vgt.f32 v19, $0.0e+00  }
0x37: {  	v30 =	vld [tilespmem:s19+$0x5200];
	v19 =	vadd.s32 v0, v11;
	vm2 =	vgt.f32 v16, $0.0e+00;
	vm5 =	vgt.f32 v18, $0.0e+00  }
0x38: {  	v20 =	vld [tilespmem:s19+$0x4080];
	v33 =	vadd.s32 v5, v19;
	v16 =	vimm.s32 $0x0;
	v19 =	vimm.s32 $0x0  }
0x39: {  	s23 =	simm.s32 $0x10;
	s20 =	simm.s32 $0x80;
	v7 =	vld [tilespmem:s19+$0x4100];
	vm3 =	vgt.f32 v13, $0.0e+00;
	v18 =	vnsel vm5, $0x0, v2;
	v13 =	vimm.s32 $0x0  }
.LBB2_2:
0x3a: {  	s22 =	sand.u32 $0xFFFFFC00, s20  }
0x3b: {  	s24 =	sor.u32 s23, s20;
	v34 =	vld [tilespmem:s19+$0x100];
	vm6 =	vgt.f32 v8, $0.0e+00;
	v35 =	vsel vm1, $0x1, v0;
	v8 =	vadd.s32 v28, v33;
	s25 =	smov.u32 s23;
	s21 =	sadd.s32 $0x10, s23  }
0x3c: {  	v11 =	vnsel vm4, $0x0, v11;
	vm4 =	vgt.f32 v32, $0.0e+00;
	v33 =	vsel vm5, $0x1, v0;
	s26 =	sadd.s32 s22, s25;
	s28 =	sor.u32 $0x380, s24;
	s24 =	sor.u32 $0x1380, s24;
	v32 =	vld [tilespmem:s19+$0x4300]  }
0x3d: {  	p0 =	sne.s32 s23, $0x1F0;
	v37 =	vsel vm4, $0x1, v0;
	v5 =	vnsel vm6, $0x0, v5;
	v38 =	vsel vm6, $0x1, v0;
	s22 =	sor.u32 $0x180, s26;
	s26 =	sor.u32 $0x1180, s26;
	v36 =	vld [tilespmem:s24+$0x0]  }
0x3e: {  	v11 =	vadd.s32 v22, v11;
	vm5 =	vgt.f32 v31, $0.0e+00;
	v22 =	vadd.s32 v37, v24;
	v26 =	vld [tilespmem:s24+$0x4000]  }
0x3f: {  	s23 =	sand.u32 $0xC00, s20;
	s19 =	sand.u32 $0x70, s25;
	v11 =	vadd.s32 v5, v11;
	v5 =	vsel vm2, $0x1, v0;
	v31 =	vld [tilespmem:s28+$0x0];
	v37 =	vadd.s32 v30, v8  }
0x40: {  	s19 =	sor.u32 s19, s23;
	v24 =	vadd.s32 v5, v22;
	v22 =	vnsel vm0, $0x0, v28;
	v39 =	vld [tilespmem:s26+$0x4000];
	vm6 =	vgt.f32 v34, $0.0e+00  }
0x41: {  	v28 =	vnsel vm4, $0x0, v20;
	v8 =	vadd.s32 v38, v29;
	v29 =	vsel vm5, $0x1, v0;
	v5 =	vld [tilespmem:s19+$0x4200]  }
0x42: {  	v40 =	vsel vm3, $0x1, v0;
	v23 =	vadd.s32 v23, v8;
	v38 =	vsel vm6, $0x1, v0;
	v34 =	vld [tilespmem:s28+$0x4000]  }
0x43: {  	v30 =	vnsel vm5, $0x0, v30;
	v41 =	vnsel vm6, $0x0, v7;
	v42 =	vnsel vm1, $0x0, v32;
	v8 =	vld [tilespmem:s19+$0x200]  }
0x44: {  	v11 =	vadd.s32 v22, v11;
	v29 =	vadd.s32 v29, v23;
	v16 =	vadd.s32 v16, v41;
	v43 =	vld [tilespmem:s19+$0x5300]  }
0x45: {  	v22 =	vadd.s32 v30, v11;
	v41 =	vnsel vm2, $0x0, v25;
	v16 =	vadd.s32 v42, v16;
	v23 =	vld [tilespmem:s22+$0x4000]  }
0x46: {  	v10 =	vadd.s32 v10, v20;
	v20 =	vnsel vm3, $0x0, v27;
	v24 =	vadd.s32 v40, v24;
	v11 =	vld [tilespmem:s19+$0x4000]  }
0x47: {  	v10 =	vadd.s32 v25, v10;
	v13 =	vadd.s32 v13, v28;
	v24 =	vadd.s32 v33, v24;
	v30 =	vld [tilespmem:s19+$0x0]  }
0x48: {  	v10 =	vadd.s32 v27, v10;
	v9 =	vadd.s32 v38, v9;
	v16 =	vadd.s32 v17, v16;
	v25 =	vld [tilespmem:s26+$0x0]  }
0x49: {  	v10 =	vadd.s32 v2, v10;
	v13 =	vadd.s32 v41, v13;
	v9 =	vadd.s32 v35, v9;
	v17 =	vld [tilespmem:s22+$0x0]  }
0x4a: {  	v7 =	vadd.s32 v19, v7;
	v13 =	vadd.s32 v20, v13;
	v9 =	vadd.s32 v21, v9;
	v27 =	vld [tilespmem:s19+$0x1000]  }
0x4b: {  	v7 =	vadd.s32 v32, v7;
	v16 =	vadd.s32 v14, v16;
	v9 =	vadd.s32 v12, v9;
	v2 =	vld [tilespmem:s19+$0x5280]  }
0x4c: {  	vm1 =	vgt.f32 v31, $0.0e+00;
	v12 =	vadd.s32 v15, v23;
	v15 =	vadd.s32 v3, v7;
	v14 =	vld [tilespmem:s19+$0x1280]  }
0x4d: {  	v19 =	vsel vm1, $0x1, v0;
	v13 =	vadd.s32 v18, v13;
	vm0 =	vgt.f32 v25, $0.0e+00;
	v20 =	vld [tilespmem:s19+$0x1300]  }
0x4e: {  	vm2 =	vgt.f32 v17, $0.0e+00;
	v18 =	vld [tilespmem:s19+$0x1080];
	v17 =	vnsel vm0, $0x0, v39;
	v21 =	vsel vm0, $0x1, v0  }
0x4f: {  	v7 =	vnsel vm2, $0x0, v23;
	v23 =	vsel vm2, $0x1, v0;
	vm0 =	vgt.f32 v27, $0.0e+00;
	v3 =	vld [tilespmem:s19+$0x5100]  }
0x50: {  	v25 =	vnsel vm1, $0x0, v34;
	vm1 =	vgt.f32 v36, $0.0e+00;
	v6 =	vadd.s32 v6, v7;
	v27 =	vld [tilespmem:s19+$0x1100]  }
0x51: {  	v31 =	vnsel vm1, $0x0, v26;
	v32 =	vsel vm1, $0x1, v0;
	v4 =	vadd.s32 v23, v4;
	v28 =	vld [tilespmem:s19+$0x300]  }
0x52: {  	v6 =	vadd.s32 v25, v6;
	v4 =	vadd.s32 v19, v4;
	v7 =	vld [tilespmem:s19+$0x4100];
	vm3 =	vgt.f32 v20, $0.0e+00  }
0x53: {  	v23 =	vsel vm0, $0x1, v0;
	v6 =	vadd.s32 v17, v6;
	v4 =	vadd.s32 v21, v4;
	v33 =	vld [tilespmem:s19+$0x280]  }
0x54: {  	vm4 =	vgt.f32 v30, $0.0e+00;
	v19 =	vadd.s32 v1, v15;
	v1 =	vmovc v43;
	v4 =	vadd.s32 v32, v4;
	v20 =	vld [tilespmem:s19+$0x4080]  }
0x55: {  	v12 =	vadd.s32 v34, v12;
	v6 =	vadd.s32 v31, v6;
	v32 =	vld [tilespmem:s19+$0x80];
	vm6 =	vgt.f32 v27, $0.0e+00  }
.Ltmp0:
0x56: {  	v15 =	vsel vm4, $0x1, v0;
	vm1 =	vgt.f32 v28, $0.0e+00;
	v28 =	vld [tilespmem:s19+$0x5000];
	v17 =	vnsel vm6, $0x0, v3;
	(pc) =	sbr.rel @p0 .LBB2_2-.Ltmp0, $4  }
0x57: {  	v30 =	vadd.s32 v37, v11;
	v34 =	vadd.s32 v39, v12;
	v12 =	vsel vm3, $0x1, v0;
	v31 =	vld [tilespmem:s19+$0x1200]  }
0x58: {  	vm5 =	vgt.f32 v14, $0.0e+00;
	v14 =	vnsel vm3, $0x0, v1;
	v25 =	vld [tilespmem:s19+$0x4280];
	vm2 =	vgt.f32 v33, $0.0e+00  }
0x59: {  	v29 =	vadd.s32 v15, v29;
	vm3 =	vgt.f32 v18, $0.0e+00;
	v21 =	vsel vm6, $0x1, v0;
	v27 =	vld [tilespmem:s19+$0x5080]  }
0x5a: {  	s20 =	sadd.s32 $0x80, s20;
	s23 =	smov.u32 s21;
	v15 =	vadd.s32 v26, v34;
	v18 =	vnsel vm5, $0x0, v2;
	v33 =	vadd.s32 v5, v30;
	v30 =	vld [tilespmem:s19+$0x5200]  }
0x5b: {  	vm6 =	vgt.f32 v8, $0.0e+00;
	v8 =	vsel vm1, $0x1, v0;
	v33 =	vadd.s32 v28, v33  }
0x5c: {  	v11 =	vnsel vm4, $0x0, v11;
	vm4 =	vgt.f32 v32, $0.0e+00;
	v61 =	vsel vm5, $0x1, v0  }
0x5d: {  	v10 =	vadd.s32 v10, v20;
	v34 =	vsel vm4, $0x1, v0;
	v5 =	vnsel vm6, $0x0, v5  }
0x5e: {  	v26 =	vld [tilespmem:s19+$0x100];
	v35 =	vsel vm6, $0x1, v0;
	v11 =	vadd.s32 v22, v11;
	vm5 =	vgt.f32 v31, $0.0e+00  }
0x5f: {  	v36 =	vld [tilespmem:s19+$0x4300];
	v22 =	vadd.s32 v34, v24;
	v5 =	vadd.s32 v5, v11;
	v11 =	vsel vm2, $0x1, v0  }
0x60: {  	v10 =	vadd.s32 v25, v10;
	v11 =	vadd.s32 v11, v22;
	v22 =	vnsel vm0, $0x0, v28  }
0x61: {  	v28 =	vadd.s32 v35, v29;
	v29 =	vsel vm5, $0x1, v0;
	v10 =	vadd.s32 v27, v10  }
0x62: {  	v24 =	vadd.s32 v30, v33;
	v23 =	vadd.s32 v23, v28;
	v28 =	vsel vm3, $0x1, v0  }
0x63: {  	v30 =	vnsel vm5, $0x0, v30;
	v5 =	vadd.s32 v22, v5;
	v2 =	vadd.s32 v2, v10  }
0x64: {  	vm6 =	vgt.f32 v26, $0.0e+00;
	v26 =	vnsel vm4, $0x0, v20;
	v63 =	vnsel vm1, $0x0, v36  }
0x65: {  	v22 =	vadd.s32 v29, v23;
	v23 =	vnsel vm2, $0x0, v25;
	v5 =	vadd.s32 v30, v5  }
0x66: {  	v20 =	vnsel vm3, $0x0, v27;
	v11 =	vadd.s32 v28, v11;
	v2 =	vadd.s32 v24, v2  }
0x67: {  	v31 =	vsel vm6, $0x1, v0;
	v62 =	vnsel vm6, $0x0, v7;
	v13 =	vadd.s32 v13, v26  }
0x68: {  	v11 =	vadd.s32 v61, v11;
	v7 =	vadd.s32 v19, v7;
	v16 =	vadd.s32 v16, v62  }
0x69: {  	v9 =	vadd.s32 v31, v9;
	v13 =	vadd.s32 v23, v13;
	v7 =	vadd.s32 v36, v7  }
0x6a: {  	v16 =	vadd.s32 v63, v16;
	v8 =	vadd.s32 v8, v9;
	v9 =	vadd.s32 v20, v13  }
0x6b: {  	v3 =	vadd.s32 v3, v7;
	v16 =	vadd.s32 v17, v16;
	v8 =	vadd.s32 v21, v8  }
0x6c: {  	v9 =	vadd.s32 v18, v9;
	v1 =	vadd.s32 v1, v3;
	v10 =	vadd.s32 v14, v16  }
0x6d: {  	v8 =	vadd.s32 v12, v8;
	v5 =	vadd.s32 v5, v9;
	v1 =	vadd.s32 v1, v2  }
0x6e: {  	v3 =	vadd.s32 v10, v5;
	v5 =	vadd.s32 v22, v11;
	v1 =	vadd.s32 v15, v1  }
0x6f: {  	v3 =	vadd.s32 v6, v3;
	v5 =	vadd.s32 v8, v5;
	[tilespmem:$0x8200] =	vst v1  }
0x70: {  	[tilespmem:$0x8000] =	vst v3;
	v3 =	vadd.s32 v4, v5  }
0x71: {  	[tilespmem:$0x8100] =	vst v3  }
0x72: {  	_ =	swait.ge [sflag:s14], $0x2000  }
0x73: {  	[sflag:s14] =	ssyncset.done $0x0  }
0x74: {  	[sflag:s14] =	ssyncadd.s32 $0xFFFFE000  }
0x75: {  	s29 =	simm.s32 $0x0;
	_ =	swait.ge [sflag:s15], $0x2000  }
0x76: {  	s20 =	sor.u32 s29, s29;
	[sflag:s15] =	ssyncset.done $0x0  }
0x77: {  	s21 =	sor.u32 $0x3380, s20;
	[sflag:s15] =	ssyncadd.s32 $0xFFFFE000  }
0x78: {  	s22 =	sand.u32 $0xFFFFFC00, s29;
	v4 =	vld [tilespmem:s21+$0x0]  }
0x79: {  	s22 =	sadd.s32 $0x0, s22;
	s20 =	sor.u32 $0x2380, s20;
	v10 =	vld [tilespmem:s21+$0x4000]  }
0x7a: {  	s23 =	sand.u32 $0x70, s29;
	s19 =	sand.u32 $0xC00, s29;
	s30 =	sor.u32 $0x3180, s22;
	v3 =	vld [tilespmem:s20+$0x0]  }
0x7b: {  	s19 =	sor.u32 s23, s19;
	v11 =	vld [tilespmem:s30+$0x4000]  }
0x7c: {  	v5 =	vld [tilespmem:s19+$0x6200]  }
0x7d: {  	s31 =	sor.u32 $0x2180, s22;
	v6 =	vld [tilespmem:s20+$0x4000]  }
0x7e: {  	v7 =	vld [tilespmem:s31+$0x4000]  }
0x7f: {  	v13 =	vld [tilespmem:s30+$0x0]  }
0x80: {  	v14 =	vld [tilespmem:s31+$0x0]  }
0x81: {  	v16 =	vld [tilespmem:s19+$0x2000]  }
0x82: {  	v18 =	vld [tilespmem:s19+$0x3300]  }
0x83: {  	v24 =	vld [tilespmem:s19+$0x3280]  }
0x84: {  	v9 =	vld [tilespmem:s19+$0x2200]  }
0x85: {  	v8 =	vimm.s32 $0x0;
	v15 =	vld [tilespmem:s19+$0x3000]  }
0x86: {  	v22 =	vld [tilespmem:s19+$0x2300];
	v17 =	vadd.s32 v8, v7;
	vm1 =	vgt.f32 v3, $0.0e+00;
	vm0 =	vgt.f32 v13, $0.0e+00  }
0x87: {  	v1 =	vld [tilespmem:s19+$0x7300];
	vm2 =	vgt.f32 v14, $0.0e+00;
	vm3 =	vgt.f32 v18, $0.0e+00;
	vm4 =	vgt.f32 v16, $0.0e+00  }
0x88: {  	v12 =	vld [tilespmem:s19+$0x6000];
	vm5 =	vgt.f32 v24, $0.0e+00;
	v24 =	vimm.s32 $0x0;
	v13 =	vsel vm1, $0x1, v0  }
0x89: {  	v2 =	vld [tilespmem:s19+$0x7280];
	v14 =	vnsel vm0, $0x0, v11;
	v19 =	vsel vm0, $0x1, v0;
	v7 =	vnsel vm2, $0x0, v7  }
0x8a: {  	v32 =	vld [tilespmem:s19+$0x2080];
	v20 =	vsel vm2, $0x1, v0;
	vm0 =	vgt.f32 v15, $0.0e+00;
	vm2 =	vgt.f32 v4, $0.0e+00  }
0x8b: {  	v28 =	vld [tilespmem:s19+$0x7000];
	v4 =	vnsel vm1, $0x0, v6;
	v16 =	vsel vm4, $0x1, v0;
	vm1 =	vgt.f32 v22, $0.0e+00  }
0x8c: {  	v31 =	vld [tilespmem:s19+$0x3200];
	v7 =	vadd.s32 v8, v7;
	v20 =	vadd.s32 v20, v8;
	v21 =	vnsel vm2, $0x0, v10  }
0x8d: {  	v15 =	vld [tilespmem:s19+$0x3100];
	v25 =	vsel vm2, $0x1, v0;
	v4 =	vadd.s32 v4, v7;
	v7 =	vadd.s32 v13, v20  }
0x8e: {  	v3 =	vld [tilespmem:s19+$0x7100];
	v23 =	vsel vm0, $0x1, v0;
	v30 =	vadd.s32 v16, v8;
	v7 =	vadd.s32 v19, v7  }
0x8f: {  	v20 =	vld [tilespmem:s19+$0x2280];
	v13 =	vadd.s32 v14, v4;
	v14 =	vadd.s32 v6, v17;
	v17 =	vadd.s32 v8, v12  }
0x90: {  	v19 =	vld [tilespmem:s19+$0x3080];
	v4 =	vadd.s32 v25, v7;
	v6 =	vadd.s32 v21, v13;
	v11 =	vadd.s32 v11, v14  }
0x91: {  	v27 =	vld [tilespmem:s19+$0x7080];
	v13 =	vsel vm3, $0x1, v0;
	v33 =	vadd.s32 v5, v17;
	v17 =	vimm.s32 $0x0  }
0x92: {  	v29 =	vld [tilespmem:s19+$0x7200];
	v14 =	vimm.s32 $0x0;
	vm6 =	vgt.f32 v15, $0.0e+00;
	v15 =	vnsel vm3, $0x0, v1  }
0x93: {  	v7 =	vld [tilespmem:s19+$0x6100];
	v16 =	vadd.s32 v10, v11;
	v11 =	vimm.s32 $0x0;
	v10 =	vimm.s32 $0x0  }
0x94: {  	v21 =	vld [tilespmem:s19+$0x6080];
	v18 =	vnsel vm6, $0x0, v3;
	v22 =	vsel vm6, $0x1, v0;
	vm2 =	vgt.f32 v20, $0.0e+00  }
0x95: {  	s23 =	simm.s32 $0x10;
	s20 =	simm.s32 $0x80;
	v25 =	vld [tilespmem:s19+$0x6280];
	v20 =	vimm.s32 $0x0;
	vm3 =	vgt.f32 v19, $0.0e+00;
	v19 =	vnsel vm5, $0x0, v2  }
.LBB2_4:
0x96: {  	s22 =	sand.u32 $0xFFFFFC00, s20  }
0x97: {  	s24 =	sor.u32 s23, s20;
	v34 =	vld [tilespmem:s19+$0x2100];
	vm6 =	vgt.f32 v9, $0.0e+00;
	v35 =	vsel vm1, $0x1, v0;
	v9 =	vadd.s32 v28, v33;
	s25 =	smov.u32 s23;
	s21 =	sadd.s32 $0x10, s23  }
0x98: {  	v12 =	vnsel vm4, $0x0, v12;
	vm4 =	vgt.f32 v32, $0.0e+00;
	v33 =	vsel vm5, $0x1, v0;
	s26 =	sadd.s32 s22, s25;
	s28 =	sor.u32 $0x2380, s24;
	s24 =	sor.u32 $0x3380, s24;
	v32 =	vld [tilespmem:s19+$0x6300]  }
0x99: {  	p0 =	sne.s32 s23, $0x1F0;
	v37 =	vsel vm4, $0x1, v0;
	v5 =	vnsel vm6, $0x0, v5;
	v38 =	vsel vm6, $0x1, v0;
	s22 =	sor.u32 $0x2180, s26;
	s26 =	sor.u32 $0x3180, s26;
	v36 =	vld [tilespmem:s24+$0x0]  }
0x9a: {  	v8 =	vadd.s32 v8, v12;
	vm5 =	vgt.f32 v31, $0.0e+00;
	v12 =	vadd.s32 v37, v24;
	v26 =	vld [tilespmem:s24+$0x4000]  }
0x9b: {  	s23 =	sand.u32 $0xC00, s20;
	s19 =	sand.u32 $0x70, s25;
	v8 =	vadd.s32 v5, v8;
	v5 =	vsel vm2, $0x1, v0;
	v31 =	vld [tilespmem:s28+$0x0];
	v37 =	vadd.s32 v29, v9  }
0x9c: {  	s19 =	sor.u32 s19, s23;
	v24 =	vadd.s32 v5, v12;
	v12 =	vnsel vm0, $0x0, v28;
	v39 =	vld [tilespmem:s26+$0x4000];
	vm6 =	vgt.f32 v34, $0.0e+00  }
0x9d: {  	v28 =	vnsel vm4, $0x0, v21;
	v9 =	vadd.s32 v38, v30;
	v30 =	vsel vm5, $0x1, v0;
	v5 =	vld [tilespmem:s19+$0x6200]  }
0x9e: {  	v40 =	vsel vm3, $0x1, v0;
	v23 =	vadd.s32 v23, v9;
	v38 =	vsel vm6, $0x1, v0;
	v34 =	vld [tilespmem:s28+$0x4000]  }
0x9f: {  	v29 =	vnsel vm5, $0x0, v29;
	v41 =	vnsel vm6, $0x0, v7;
	v42 =	vnsel vm1, $0x0, v32;
	v9 =	vld [tilespmem:s19+$0x2200]  }
0xa0: {  	v8 =	vadd.s32 v12, v8;
	v30 =	vadd.s32 v30, v23;
	v17 =	vadd.s32 v17, v41;
	v43 =	vld [tilespmem:s19+$0x7300]  }
0xa1: {  	v8 =	vadd.s32 v29, v8;
	v41 =	vnsel vm2, $0x0, v25;
	v17 =	vadd.s32 v42, v17;
	v23 =	vld [tilespmem:s22+$0x4000]  }
0xa2: {  	v11 =	vadd.s32 v11, v21;
	v21 =	vnsel vm3, $0x0, v27;
	v24 =	vadd.s32 v40, v24;
	v12 =	vld [tilespmem:s19+$0x6000]  }
0xa3: {  	v11 =	vadd.s32 v25, v11;
	v14 =	vadd.s32 v14, v28;
	v24 =	vadd.s32 v33, v24;
	v29 =	vld [tilespmem:s19+$0x2000]  }
0xa4: {  	v11 =	vadd.s32 v27, v11;
	v10 =	vadd.s32 v38, v10;
	v17 =	vadd.s32 v18, v17;
	v25 =	vld [tilespmem:s26+$0x0]  }
0xa5: {  	v11 =	vadd.s32 v2, v11;
	v14 =	vadd.s32 v41, v14;
	v10 =	vadd.s32 v35, v10;
	v18 =	vld [tilespmem:s22+$0x0]  }
0xa6: {  	v7 =	vadd.s32 v20, v7;
	v14 =	vadd.s32 v21, v14;
	v10 =	vadd.s32 v22, v10;
	v27 =	vld [tilespmem:s19+$0x3000]  }
0xa7: {  	v7 =	vadd.s32 v32, v7;
	v17 =	vadd.s32 v15, v17;
	v10 =	vadd.s32 v13, v10;
	v2 =	vld [tilespmem:s19+$0x7280]  }
0xa8: {  	vm1 =	vgt.f32 v31, $0.0e+00;
	v13 =	vadd.s32 v16, v23;
	v16 =	vadd.s32 v3, v7;
	v15 =	vld [tilespmem:s19+$0x3280]  }
0xa9: {  	v20 =	vsel vm1, $0x1, v0;
	v14 =	vadd.s32 v19, v14;
	vm0 =	vgt.f32 v25, $0.0e+00;
	v21 =	vld [tilespmem:s19+$0x3300]  }
0xaa: {  	vm2 =	vgt.f32 v18, $0.0e+00;
	v19 =	vld [tilespmem:s19+$0x3080];
	v18 =	vnsel vm0, $0x0, v39;
	v22 =	vsel vm0, $0x1, v0  }
0xab: {  	v7 =	vnsel vm2, $0x0, v23;
	v23 =	vsel vm2, $0x1, v0;
	vm0 =	vgt.f32 v27, $0.0e+00;
	v3 =	vld [tilespmem:s19+$0x7100]  }
0xac: {  	v25 =	vnsel vm1, $0x0, v34;
	vm1 =	vgt.f32 v36, $0.0e+00;
	v6 =	vadd.s32 v6, v7;
	v27 =	vld [tilespmem:s19+$0x3100]  }
0xad: {  	v31 =	vnsel vm1, $0x0, v26;
	v32 =	vsel vm1, $0x1, v0;
	v4 =	vadd.s32 v23, v4;
	v28 =	vld [tilespmem:s19+$0x2300]  }
0xae: {  	v6 =	vadd.s32 v25, v6;
	v4 =	vadd.s32 v20, v4;
	v7 =	vld [tilespmem:s19+$0x6100];
	vm3 =	vgt.f32 v21, $0.0e+00  }
0xaf: {  	v23 =	vsel vm0, $0x1, v0;
	v6 =	vadd.s32 v18, v6;
	v4 =	vadd.s32 v22, v4;
	v33 =	vld [tilespmem:s19+$0x2280]  }
0xb0: {  	vm4 =	vgt.f32 v29, $0.0e+00;
	v20 =	vadd.s32 v1, v16;
	v1 =	vmovc v43;
	v4 =	vadd.s32 v32, v4;
	v21 =	vld [tilespmem:s19+$0x6080]  }
0xb1: {  	v13 =	vadd.s32 v34, v13;
	v6 =	vadd.s32 v31, v6;
	v32 =	vld [tilespmem:s19+$0x2080];
	vm6 =	vgt.f32 v27, $0.0e+00  }
.Ltmp1:
0xb2: {  	v16 =	vsel vm4, $0x1, v0;
	vm1 =	vgt.f32 v28, $0.0e+00;
	v28 =	vld [tilespmem:s19+$0x7000];
	v18 =	vnsel vm6, $0x0, v3;
	(pc) =	sbr.rel @p0 .LBB2_4-.Ltmp1, $4  }
0xb3: {  	v29 =	vadd.s32 v37, v12;
	v34 =	vadd.s32 v39, v13;
	v13 =	vsel vm3, $0x1, v0;
	v31 =	vld [tilespmem:s19+$0x3200]  }
0xb4: {  	vm5 =	vgt.f32 v15, $0.0e+00;
	v15 =	vnsel vm3, $0x0, v1;
	v25 =	vld [tilespmem:s19+$0x6280];
	vm2 =	vgt.f32 v33, $0.0e+00  }
0xb5: {  	v30 =	vadd.s32 v16, v30;
	vm3 =	vgt.f32 v19, $0.0e+00;
	v22 =	vsel vm6, $0x1, v0;
	v27 =	vld [tilespmem:s19+$0x7080]  }
0xb6: {  	s20 =	sadd.s32 $0x80, s20;
	s23 =	smov.u32 s21;
	v16 =	vadd.s32 v26, v34;
	v19 =	vnsel vm5, $0x0, v2;
	v33 =	vadd.s32 v5, v29;
	v29 =	vld [tilespmem:s19+$0x7200]  }
0xb7: {  	vm6 =	vgt.f32 v9, $0.0e+00;
	v43 =	vsel vm1, $0x1, v0;
	v33 =	vadd.s32 v28, v33  }
0xb8: {  	v12 =	vnsel vm4, $0x0, v12;
	vm13 =	vgt.f32 v32, $0.0e+00;
	v44 =	vsel vm5, $0x1, v0  }
0xb9: {  	v46 =	vsel vm2, $0x1, v0;
	v48 =	vnsel vm0, $0x0, v28;
	v53 =	vsel vm3, $0x1, v0  }
0xba: {  	v11 =	vadd.s32 v11, v21;
	v60 =	vadd.s32 v20, v7;
	v34 =	vsel vm13, $0x1, v0  }
0xbb: {  	v5 =	vnsel vm6, $0x0, v5;
	v35 =	vsel vm6, $0x1, v0;
	v8 =	vadd.s32 v8, v12  }
0xbc: {  	vm14 =	vgt.f32 v31, $0.0e+00;
	v49 =	vnsel vm13, $0x0, v21;
	v45 =	vadd.s32 v34, v24  }
0xbd: {  	v26 =	vld [tilespmem:s19+$0x2100];
	v5 =	vadd.s32 v5, v8;
	v50 =	vadd.s32 v35, v30;
	v51 =	vsel vm14, $0x1, v0  }
0xbe: {  	v36 =	vld [tilespmem:s19+$0x6300];
	v58 =	vnsel vm2, $0x0, v25;
	v14 =	vadd.s32 v14, v49;
	v11 =	vadd.s32 v25, v11  }
0xbf: {  	v8 =	vadd.s32 v46, v45;
	v23 =	vadd.s32 v23, v50;
	v5 =	vadd.s32 v48, v5  }
0xc0: {  	v59 =	vnsel vm3, $0x0, v27;
	v11 =	vadd.s32 v27, v11;
	v14 =	vadd.s32 v58, v14  }
0xc1: {  	v47 =	vadd.s32 v29, v33;
	v56 =	vnsel vm14, $0x0, v29;
	v57 =	vadd.s32 v51, v23  }
0xc2: {  	v8 =	vadd.s32 v53, v8;
	v2 =	vadd.s32 v2, v11;
	v61 =	vadd.s32 v59, v14  }
0xc3: {  	vm15 =	vgt.f32 v26, $0.0e+00;
	v55 =	vnsel vm1, $0x0, v36;
	v5 =	vadd.s32 v56, v5  }
0xc4: {  	v8 =	vadd.s32 v44, v8;
	v2 =	vadd.s32 v47, v2;
	v52 =	vsel vm15, $0x1, v0  }
0xc5: {  	v54 =	vnsel vm15, $0x0, v7;
	v7 =	vadd.s32 v36, v60;
	v63 =	vadd.s32 v57, v8  }
0xc6: {  	v17 =	vadd.s32 v17, v54;
	v10 =	vadd.s32 v52, v10;
	v3 =	vadd.s32 v3, v7  }
0xc7: {  	v17 =	vadd.s32 v55, v17;
	v9 =	vadd.s32 v43, v10;
	v10 =	vadd.s32 v19, v61  }
0xc8: {  	v1 =	vadd.s32 v1, v3;
	v17 =	vadd.s32 v18, v17;
	v9 =	vadd.s32 v22, v9  }
0xc9: {  	v5 =	vadd.s32 v5, v10;
	v1 =	vadd.s32 v1, v2;
	v62 =	vadd.s32 v15, v17  }
0xca: {  	v9 =	vadd.s32 v13, v9;
	v1 =	vadd.s32 v16, v1;
	v3 =	vadd.s32 v62, v5  }
0xcb: {  	s18 =	sadd.s32 $0x1, s18;
	v5 =	vadd.s32 v9, v63;
	[tilespmem:$0x8280] =	vst v1;
	v3 =	vadd.s32 v6, v3  }
0xcc: {  	p0 =	sne.s32 s18, s8;
	[tilespmem:$0x8080] =	vst v3;
	v3 =	vadd.s32 v4, v5  }
.Ltmp2:
0xcd: {  	[tilespmem:$0x8180] =	vst v3;
	(pc) =	sbr.rel @p0 .LBB2_1-.Ltmp2, $4  }
0xce: {  	[hbm4b:s7+s2] =	stream.linear.scatter [tilespmem:s16], [sflag:$0x5], $0x300, $0x38;
	[tilespmem:$0x8400] =	vst v63  }
0xcf: {  	_ =	swait.ge [sflag:s17], $0x300  }
0xd0: {  	[sflag:s17] =	ssyncset.done $0x0  }
0xd1: {  	[sflag:s17] =	ssyncadd.s32 $0xFFFFFD00  }
0xd2: {  	_ =	sfence.sel $0x180000  }
0xd3: {  	[bflag:$0x0] =	sbarrier.arrive $0xFFFF  }
0xd4: {  	p0 =	sne.s32 s1, $0x0;
	_ =	strace $0x90000047  }
0xd5: {  	s0 =	sadd.s32 @!p0 $0x100000, s0;
	[bflag:$0x2] =	sbarrier.arrive $0xFFFF  }
0xd6: {  	[sflag:s0] =	ssyncadd.tile.s32 @!p0 $0x1;
	_ =	shalt  }
.Lfunc_end2:
_tile_overlayer_lowered:
.L_overlay_start_2:
0xd7: {  	(tag) =	ssettag $0x2  }
0xd8: {  	s0 =	rddreg [dreg:$0x0];
	s2 =	stileid.u32  }
0xd9: {  	s1 =	rddreg [dreg:$0x1];
	p0 =	sne.s32 s2, $0x0  }
0xda: {  	s3 =	rddreg [dreg:$0x2];
	[bflag:$0x3] =	sbarrier.arrive $0xFFFF;
	s2 =	simm.s32 @!p0 $0x1C05  }
0xdb: {  	[timem:s3], [sflag:s2] =	dma.local @!p0 [hbm:s0], s1  }
0xdc: {  	s0 =	simm.s32 @!p0 $0x5  }
0xdd: {  	_ =	swait.ge @!p0 [sflag:s0], s1  }
0xde: {  	s1 =	ssub.s32 @!p0 $0x0, s1;
	[sflag:s0] =	ssyncset.done @!p0 $0x0  }
0xdf: {  	[sflag:s0] =	ssyncadd.s32 @!p0 s1  }
0xe0: {  	[bflag:$0x3] =	sbarrier.arrive $0xFFFF  }
0xe1: {  	_ =	shalt  }

</sc_bundles>
